<compile_context>
chip_gen: v7x
topology: tpu7x:2x2x1
jax: 0.10.2.dev20260603
libtpu: 0.0.44.dev20260713+nightly
codegen_flags: <defaults>
</compile_context>

<pallas_src>
import jax
import jax.numpy as jnp
from jax.experimental import pallas as pl
from jax.experimental.pallas import tpu as pltpu
from jax.experimental.pallas import tpu_sc as plsc

B, N, D, C, K = 4, 4096, 1024, 2, 256

NB_A = 1024


def _router_body(z_ref, Wc_ref, b1_ref, W2_ref, b2_ref, bh_ref,
                 scores_ref, seg_ref):
    zb = z_ref[...]
    combined = jax.lax.dot_general(zb, Wc_ref[...], (((1,), (0,)), ((), ())),
                                   preferred_element_type=jnp.float32)
    h = jnp.maximum(combined[:, :D] + b1_ref[...], 0.0)
    seg_ref[...] = combined[:, D:D + C] + bh_ref[...]
    s = jax.lax.dot_general(h, W2_ref[...], (((1,), (0,)), ((), ())),
                            preferred_element_type=jnp.float32) + b2_ref[...]
    scores_ref[...] = s


def _sortable_i32(bits):
    return jnp.where(bits < 0, bits ^ jnp.int32(0x7FFFFFFF), bits)


_NV = N // 16


def _thresh_body(scores_ref, tn_ref):
    kk = _sortable_i32(jax.lax.bitcast_convert_type(scores_ref[...], jnp.int32))
    msb = jnp.int32(-2147483648)

    def step(i, prefix_u):
        cand_u = prefix_u | (jnp.int32(1) << (jnp.int32(31) - i))
        cand_s = cand_u ^ msb
        cnt = jnp.sum((kk >= cand_s).astype(jnp.int32), axis=1, keepdims=True)
        return jnp.where(cnt >= K, cand_u, prefix_u)

    prefix_u = jax.lax.fori_loop(0, 32, step, jnp.zeros((B, 1), jnp.int32))
    t_s = prefix_u ^ msb
    n_gt = jnp.sum((kk > t_s).astype(jnp.int32), axis=1, keepdims=True)
    need = K - n_gt
    tn_ref[...] = jnp.concatenate(
        [jnp.broadcast_to(t_s, (B, 16)), jnp.broadcast_to(need, (B, 16))],
        axis=1)


def _sc_apply_body(scores_hbm, seg_hbm, tn_hbm, w_hbm, clip_hbm,
                   s_v, segp_v, tn_v, w_v, c16_v):
    cid = jax.lax.axis_index("c")
    sid = jax.lax.axis_index("s")
    wid = sid * 2 + cid

    @pl.when(wid < B)
    def _():
        b = wid
        pltpu.sync_copy(scores_hbm.at[pl.ds(pl.multiple_of(b * N, 8), N)], s_v)
        pltpu.sync_copy(
            seg_hbm.at[pl.ds(pl.multiple_of(b * N * C, 8), N * C)], segp_v)
        pltpu.sync_copy(tn_hbm.at[pl.ds(pl.multiple_of(b * 32, 8), 32)], tn_v)

        li = jax.lax.iota(jnp.int32, 16)
        t_vec = tn_v[pl.ds(0, 16)]
        need_v = tn_v[pl.ds(16, 16)]
        inv_k = jnp.float32(1.0 / K)
        zf = jnp.zeros((16,), jnp.float32)
        half = jax.lax.shift_right_logical(li, 1)

        def fin(i, carry):
            ceq_v, acc = carry
            sv = s_v[pl.ds(i * 16, 16)]
            bits = jax.lax.bitcast_convert_type(sv, jnp.int32)
            ks = jnp.where(bits < 0, bits ^ jnp.int32(0x7FFFFFFF), bits)
            gt = ks > t_vec
            eq = ks == t_vec
            ec = plsc.cumsum(eq.astype(jnp.int32))
            sel = jnp.logical_or(
                gt, jnp.logical_and(eq, (ceq_v + ec) <= need_v))
            w_v[pl.ds(i * 16, 16)] = jnp.where(sel, inv_k, 0.0)
            ceq_v = ceq_v + plsc.all_reduce_population_count(eq)
            wexp0 = plsc.load_gather(w_v, [i * 16 + half])
            wexp1 = plsc.load_gather(w_v, [i * 16 + 8 + half])
            acc = acc + wexp0 * segp_v[pl.ds(i * 32, 16)]
            acc = acc + wexp1 * segp_v[pl.ds(i * 32 + 16, 16)]
            return ceq_v, acc
        _, acc = jax.lax.fori_loop(
            0, _NV, fin, (jnp.zeros((16,), jnp.int32), zf), unroll=8)

        even = (li & 1) == 0
        c0 = jnp.sum(jnp.where(even, acc, 0.0))
        c1 = jnp.sum(jnp.where(even, 0.0, acc))
        c16_v[...] = jnp.where(li == 0, c0, jnp.where(li == 1, c1, 0.0))

        pltpu.sync_copy(w_v, w_hbm.at[pl.ds(pl.multiple_of(b * N, 8), N)])
        pltpu.sync_copy(c16_v, clip_hbm.at[pl.ds(pl.multiple_of(b * 16, 8), 16)])


def _sc_apply(scores_flat, seg_flat, tn_flat):
    mesh = plsc.VectorSubcoreMesh(core_axis_name="c", subcore_axis_name="s")
    f = pl.kernel(
        _sc_apply_body, mesh=mesh,
        compiler_params=pltpu.CompilerParams(needs_layout_passes=False),
        out_type=[
            jax.ShapeDtypeStruct((B * N,), jnp.float32),
            jax.ShapeDtypeStruct((B * 16,), jnp.float32),
        ],
        scratch_types=[
            pltpu.VMEM((N,), jnp.float32),
            pltpu.VMEM((N * C,), jnp.float32),
            pltpu.VMEM((32,), jnp.int32),
            pltpu.VMEM((N,), jnp.float32),
            pltpu.VMEM((16,), jnp.float32),
        ],
    )
    return f(scores_flat, seg_flat, tn_flat)


@jax.jit
def kernel(z, W1, b1, W2, b2, Wh, bh):
    z2d = z.reshape(B * N, D)
    Wc = jnp.concatenate([W1, Wh], axis=1)

    scores2d, seg2d = pl.pallas_call(
        _router_body,
        grid=(B * N // NB_A,),
        in_specs=[
            pl.BlockSpec((NB_A, D), lambda i: (i, 0)),
            pl.BlockSpec((D, D + C), lambda i: (0, 0)),
            pl.BlockSpec((1, D), lambda i: (0, 0)),
            pl.BlockSpec((D, 1), lambda i: (0, 0)),
            pl.BlockSpec((1, 1), lambda i: (0, 0)),
            pl.BlockSpec((1, C), lambda i: (0, 0)),
        ],
        out_specs=[
            pl.BlockSpec((NB_A, 1), lambda i: (i, 0)),
            pl.BlockSpec((NB_A, C), lambda i: (i, 0)),
        ],
        out_shape=[
            jax.ShapeDtypeStruct((B * N, 1), jnp.float32),
            jax.ShapeDtypeStruct((B * N, C), jnp.float32),
        ],
    )(z2d, Wc, b1.reshape(1, D), W2, b2.reshape(1, 1), bh.reshape(1, C))

    tn = pl.pallas_call(
        _thresh_body,
        in_specs=[pl.BlockSpec((B, N), lambda: (0, 0))],
        out_specs=pl.BlockSpec((B, 32), lambda: (0, 0)),
        out_shape=jax.ShapeDtypeStruct((B, 32), jnp.int32),
    )(scores2d.reshape(B, N))

    w_flat, clip_pad = _sc_apply(scores2d.reshape(B * N),
                                 seg2d.reshape(B * N * C),
                                 tn.reshape(B * 32))
    clip_logits = clip_pad.reshape(B, 16)[:, :C]
    return clip_logits, seg2d.reshape(B, N, C), w_flat.reshape(B, N)

# --- scband reference (transcript-rebuilt; emitter-appended) ---
"""Pipeline reference for scband-dynamic-routing-mil-33028298506871 (READ-ONLY COPY).

The authoritative reference and input builder live on the scoring server;
editing this copy changes nothing except your own understanding.
"""

import jax, jax.numpy as jnp
import numpy as np

B, N, D, C, K, TAU = 4, 4096, 1024, 2, 256, 2.0

def setup_inputs(seed: int = 0) -> dict:
    key = jax.random.key(seed)
    ks = jax.random.split(key, 8)
    z = jax.random.normal(ks[0], (B, N, D), dtype=jnp.float32)
    s = 1.0 / np.sqrt(D)
    W1 = jax.random.uniform(ks[1], (D, D), minval=-s, maxval=s, dtype=jnp.float32)
    b1 = jax.random.uniform(ks[2], (D,), minval=-s, maxval=s, dtype=jnp.float32)
    W2 = jax.random.uniform(ks[3], (D, 1), minval=-s, maxval=s, dtype=jnp.float32)
    b2 = jax.random.uniform(ks[4], (1,), minval=-s, maxval=s, dtype=jnp.float32)
    Wh = jax.random.uniform(ks[5], (D, C), minval=-s, maxval=s, dtype=jnp.float32)
    bh = jax.random.uniform(ks[6], (C,), minval=-s, maxval=s, dtype=jnp.float32)
    return {"z": z, "W1": W1, "b1": b1, "W2": W2, "b2": b2, "Wh": Wh, "bh": bh}

def reference(z, W1, b1, W2, b2, Wh, bh):
    # router: Linear -> ReLU -> Linear, squeeze last dim
    h = jnp.maximum(jnp.einsum('bnd,de->bne', z, W1) + b1, 0.0)
    scores = (jnp.einsum('bnd,do->bno', h, W2) + b2).squeeze(-1)  # [B, N]
    k = min(K, N)
    _, idx = jax.lax.top_k(scores, k)  # [B, k]
    rows = jnp.arange(B)[:, None]
    w = jnp.zeros_like(scores).at[rows, idx].set(1.0 / k)  # hard top-k mask weights
    clip = jnp.sum(z * w[..., None], axis=1)  # [B, D]
    clip_logits = clip @ Wh + bh  # [B, C]
    segment_logits = jnp.einsum('bnd,dc->bnc', z, Wh) + bh  # [B, N, C]
    return (clip_logits, segment_logits, w)

if __name__ == "__main__":
    import jax
    _d = setup_inputs()
    print(jax.jit(kernel)(*tuple(_d.values())))

</pallas_src>

<mosaic_0001>
#map = affine_map<(d0, d1) -> (0)>
module attributes {stable_mosaic.version = 14 : i64} {
  func.func @_sc_apply_body(%arg0: i32, %arg1: i32, %arg2: memref<16384xf32, #tpu.memory_space<hbm>>, %arg3: memref<32768xf32, #tpu.memory_space<hbm>>, %arg4: memref<128xi32, #tpu.memory_space<hbm>>, %arg5: memref<16384xf32, #tpu.memory_space<hbm>>, %arg6: memref<64xf32, #tpu.memory_space<hbm>>, %arg7: memref<4096xf32, #tpu.memory_space<vmem>>, %arg8: memref<8192xf32, #tpu.memory_space<vmem>>, %arg9: memref<32xi32, #tpu.memory_space<vmem>>, %arg10: memref<4096xf32, #tpu.memory_space<vmem>>, %arg11: memref<16xf32, #tpu.memory_space<vmem>>) attributes {dimension_semantics = [#tpu.dimension_semantics<core_parallel>, #tpu.dimension_semantics<subcore_parallel>], iteration_bounds = array<i64: 2, 16>, scalar_prefetch = 0 : i64, scratch_operands = 5 : i64, tpu.core_type = #tpu.core_type<sc_vector_subcore>, window_params = [{transform_indices = #map}, {transform_indices = #map}, {transform_indices = #map}, {transform_indices = #map}, {transform_indices = #map}]} {
    %mul3A = arith.constant 2 : i32
    %mul3A_0 = arith.muli %arg1, %mul3A : i32
    %add3A = arith.addi %mul3A_0, %arg0 : i32
    %lt3A = arith.constant 4 : i32
    %lt3A_1 = arith.cmpi slt, %add3A, %lt3A : i32
    %convert_element_type3A = arith.extui %lt3A_1 : i1 to i32
    %cond3A = arith.constant 0 : i32
    %cond3A_2 = arith.cmpi ne, %convert_element_type3A, %cond3A : i32
    scf.if %cond3A_2 {
      %mul3A_3 = arith.constant 4096 : i32
      %mul3A_4 = arith.muli %add3A, %mul3A_3 : i32
      %multiple_of3A = tpu.assume_multiple %mul3A_4, 8 : i32
      "tpu.region"() ({
        %run_scoped3A = tpu.sem_alloc : memref<!tpu.dma_semaphore, #tpu.memory_space<semaphore_mem>>
        %dma_start3A = tpu.memref_slice %arg2[%multiple_of3A] : memref<16384xf32, #tpu.memory_space<hbm>> -> memref<4096xf32, #tpu.memory_space<hbm>>
        %dma_start3A_61 = tpu.memref_slice %arg2[%multiple_of3A] : memref<16384xf32, #tpu.memory_space<hbm>> -> memref<4096xf32, #tpu.memory_space<hbm>>
        tpu.enqueue_dma source(%dma_start3A_61 : memref<4096xf32, #tpu.memory_space<hbm>>) target(%arg7 : memref<4096xf32, #tpu.memory_space<vmem>>) target_semaphore(%run_scoped3A : memref<!tpu.dma_semaphore, #tpu.memory_space<semaphore_mem>>)
        %dma_wait3A = tpu.memref_slice %arg2[%multiple_of3A] : memref<16384xf32, #tpu.memory_space<hbm>> -> memref<4096xf32, #tpu.memory_space<hbm>>
        %dma_wait3A_62 = tpu.memref_slice %arg2[%multiple_of3A] : memref<16384xf32, #tpu.memory_space<hbm>> -> memref<4096xf32, #tpu.memory_space<hbm>>
        tpu.wait_dma2 semaphore(%run_scoped3A : memref<!tpu.dma_semaphore, #tpu.memory_space<semaphore_mem>>) src(%dma_wait3A_62 : memref<4096xf32, #tpu.memory_space<hbm>>) dst(%arg7 : memref<4096xf32, #tpu.memory_space<vmem>>)
        tpu.yield
      }) : () -> ()
      %mul3A_5 = arith.constant 4096 : i32
      %mul3A_6 = arith.muli %add3A, %mul3A_5 : i32
      %mul3A_7 = arith.constant 2 : i32
      %mul3A_8 = arith.muli %mul3A_6, %mul3A_7 : i32
      %multiple_of3A_9 = tpu.assume_multiple %mul3A_8, 8 : i32
      "tpu.region"() ({
        %run_scoped3A = tpu.sem_alloc : memref<!tpu.dma_semaphore, #tpu.memory_space<semaphore_mem>>
        %dma_start3A = tpu.memref_slice %arg3[%multiple_of3A_9] : memref<32768xf32, #tpu.memory_space<hbm>> -> memref<8192xf32, #tpu.memory_space<hbm>>
        %dma_start3A_61 = tpu.memref_slice %arg3[%multiple_of3A_9] : memref<32768xf32, #tpu.memory_space<hbm>> -> memref<8192xf32, #tpu.memory_space<hbm>>
        tpu.enqueue_dma source(%dma_start3A_61 : memref<8192xf32, #tpu.memory_space<hbm>>) target(%arg8 : memref<8192xf32, #tpu.memory_space<vmem>>) target_semaphore(%run_scoped3A : memref<!tpu.dma_semaphore, #tpu.memory_space<semaphore_mem>>)
        %dma_wait3A = tpu.memref_slice %arg3[%multiple_of3A_9] : memref<32768xf32, #tpu.memory_space<hbm>> -> memref<8192xf32, #tpu.memory_space<hbm>>
        %dma_wait3A_62 = tpu.memref_slice %arg3[%multiple_of3A_9] : memref<32768xf32, #tpu.memory_space<hbm>> -> memref<8192xf32, #tpu.memory_space<hbm>>
        tpu.wait_dma2 semaphore(%run_scoped3A : memref<!tpu.dma_semaphore, #tpu.memory_space<semaphore_mem>>) src(%dma_wait3A_62 : memref<8192xf32, #tpu.memory_space<hbm>>) dst(%arg8 : memref<8192xf32, #tpu.memory_space<vmem>>)
        tpu.yield
      }) : () -> ()
      %mul3A_10 = arith.constant 32 : i32
      %mul3A_11 = arith.muli %add3A, %mul3A_10 : i32
      %multiple_of3A_12 = tpu.assume_multiple %mul3A_11, 8 : i32
      "tpu.region"() ({
        %run_scoped3A = tpu.sem_alloc : memref<!tpu.dma_semaphore, #tpu.memory_space<semaphore_mem>>
        %dma_start3A = tpu.memref_slice %arg4[%multiple_of3A_12] : memref<128xi32, #tpu.memory_space<hbm>> -> memref<32xi32, #tpu.memory_space<hbm>>
        %dma_start3A_61 = tpu.memref_slice %arg4[%multiple_of3A_12] : memref<128xi32, #tpu.memory_space<hbm>> -> memref<32xi32, #tpu.memory_space<hbm>>
        tpu.enqueue_dma source(%dma_start3A_61 : memref<32xi32, #tpu.memory_space<hbm>>) target(%arg9 : memref<32xi32, #tpu.memory_space<vmem>>) target_semaphore(%run_scoped3A : memref<!tpu.dma_semaphore, #tpu.memory_space<semaphore_mem>>)
        %dma_wait3A = tpu.memref_slice %arg4[%multiple_of3A_12] : memref<128xi32, #tpu.memory_space<hbm>> -> memref<32xi32, #tpu.memory_space<hbm>>
        %dma_wait3A_62 = tpu.memref_slice %arg4[%multiple_of3A_12] : memref<128xi32, #tpu.memory_space<hbm>> -> memref<32xi32, #tpu.memory_space<hbm>>
        tpu.wait_dma2 semaphore(%run_scoped3A : memref<!tpu.dma_semaphore, #tpu.memory_space<semaphore_mem>>) src(%dma_wait3A_62 : memref<32xi32, #tpu.memory_space<hbm>>) dst(%arg9 : memref<32xi32, #tpu.memory_space<vmem>>)
        tpu.yield
      }) : () -> ()
      %iota3A = tpu.iota {dimensions = array<i32: 0>} : vector<16xi32>
      %get3A = arith.constant 0 : index
      %get3A_13 = tpu.vector_load %arg9[%get3A] {strides = array<i32>} : memref<32xi32, #tpu.memory_space<vmem>>, vector<16xi32>,
      %get3A_14 = arith.constant 16 : index
      %get3A_15 = tpu.vector_load %arg9[%get3A_14] {strides = array<i32>} : memref<32xi32, #tpu.memory_space<vmem>>, vector<16xi32>,
      %broadcast_in_dim3A = arith.constant 0.000000e+00 : f32
      %broadcast_in_dim3A_16 = vector.broadcast %broadcast_in_dim3A : f32 to vector<16xf32>
      %shift_right_logical3A = arith.constant 1 : i32
      %shift_right_logical3A_17 = vector.broadcast %shift_right_logical3A : i32 to vector<16xi32>
      %shift_right_logical3A_18 = arith.shrui %iota3A, %shift_right_logical3A_17 : vector<16xi32>
      %broadcast_in_dim3A_19 = arith.constant 0 : i32
      %broadcast_in_dim3A_20 = vector.broadcast %broadcast_in_dim3A_19 : i32 to vector<16xi32>
      %scan3A = arith.constant 3.906250e-03 : f32
      %scan3A_21 = arith.constant 0 : i32
      %scan3A_22 = arith.constant 256 : i32
      %scan3A_23 = arith.addi %scan3A_21, %scan3A_22 : i32
      %scan3A_24 = arith.constant 8 : i32
      %scan3A_25:2 = scf.for %scan3A_61 = %scan3A_21 to %scan3A_23 step %scan3A_24 iter_args(%scan3A_62 = %broadcast_in_dim3A_20, %scan3A_63 = %broadcast_in_dim3A_16) -> (vector<16xi32>, vector<16xf32>)  : i32 {
        %mul3A_64 = arith.constant 16 : i32
        %mul3A_65 = arith.muli %scan3A_61, %mul3A_64 : i32
        %get3A_66 = arith.index_cast %mul3A_65 : i32 to index
        %get3A_67 = tpu.vector_load %arg7[%get3A_66] {strides = array<i32>} : memref<4096xf32, #tpu.memory_space<vmem>>, vector<16xf32>,
        %bitcast_convert_type3A = tpu.bitcast %get3A_67 : vector<16xf32> -> vector<16xi32>
        %lt3A_68 = arith.constant 0 : i32
        %lt3A_69 = vector.broadcast %lt3A_68 : i32 to vector<16xi32>
        %lt3A_70 = arith.cmpi slt, %bitcast_convert_type3A, %lt3A_69 : vector<16xi32>
        %xor3A = arith.constant 2147483647 : i32
        %xor3A_71 = vector.broadcast %xor3A : i32 to vector<16xi32>
        %xor3A_72 = arith.xori %bitcast_convert_type3A, %xor3A_71 : vector<16xi32>
        %select_n3A_73 = arith.select %lt3A_70, %xor3A_72, %bitcast_convert_type3A : vector<16xi1>, vector<16xi32>
        %gt3A = arith.cmpi sgt, %select_n3A_73, %get3A_13 : vector<16xi32>
        %eq3A_74 = arith.cmpi eq, %select_n3A_73, %get3A_13 : vector<16xi32>
        %convert_element_type3A_75 = arith.extui %eq3A_74 : vector<16xi1> to vector<16xi32>
        %broadcast_in_dim3A_76 = arith.constant true
        %broadcast_in_dim3A_77 = vector.broadcast %broadcast_in_dim3A_76 : i1 to vector<16xi1>
        %masked_cumsum3A = tpu.scan <sum>, %convert_element_type3A_75 masked %broadcast_in_dim3A_77 : vector<16xi32>, vector<16xi1> -> vector<16xi32>
        %add3A_78 = arith.addi %scan3A_62, %masked_cumsum3A : vector<16xi32>
        %le3A = arith.cmpi sle, %add3A_78, %get3A_15 : vector<16xi32>
        %and3A_79 = arith.andi %eq3A_74, %le3A : vector<16xi1>
        %or3A = arith.ori %gt3A, %and3A_79 : vector<16xi1>
        %jit3A_80 = arith.constant 0.000000e+00 : f32
        %broadcast_in_dim3A_81 = vector.broadcast %scan3A : f32 to vector<16xf32>
        %broadcast_in_dim3A_82 = vector.broadcast %jit3A_80 : f32 to vector<16xf32>
        %select_n3A_83 = arith.select %or3A, %broadcast_in_dim3A_81, %broadcast_in_dim3A_82 : vector<16xi1>, vector<16xf32>
        %mul3A_84 = arith.constant 16 : i32
        %mul3A_85 = arith.muli %scan3A_61, %mul3A_84 : i32
        %swap3A_86 = arith.index_cast %mul3A_85 : i32 to index
        %swap3A_87 = tpu.vector_load %arg10[%swap3A_86] {strides = array<i32>} : memref<4096xf32, #tpu.memory_space<vmem>>, vector<16xf32>,
        tpu.vector_store %arg10[%swap3A_86], %select_n3A_83 {strides = array<i32>} : memref<4096xf32, #tpu.memory_space<vmem>>, vector<16xf32>,
        %all_reduce_population_count3A = tpu.all_reduce %eq3A_74 {dim = 0 : i64, kind = #tpu.reduction_kind<sum>} : vector<16xi1> -> vector<16xi32>
        %add3A_88 = arith.addi %scan3A_62, %all_reduce_population_count3A : vector<16xi32>
        %mul3A_89 = arith.constant 16 : i32
        %mul3A_90 = arith.muli %scan3A_61, %mul3A_89 : i32
        %add3A_91 = vector.broadcast %mul3A_90 : i32 to vector<16xi32>
        %add3A_92 = arith.addi %add3A_91, %shift_right_logical3A_18 : vector<16xi32>
        %gather3A = tpu.vector_load_idx %arg10[%add3A_92] : memref<4096xf32, #tpu.memory_space<vmem>>[vector<16xi32>], vector<16xf32>,
        %mul3A_93 = arith.constant 16 : i32
        %mul3A_94 = arith.muli %scan3A_61, %mul3A_93 : i32
        %add3A_95 = arith.constant 8 : i32
        %add3A_96 = arith.addi %mul3A_94, %add3A_95 : i32
        %add3A_97 = vector.broadcast %add3A_96 : i32 to vector<16xi32>
        %add3A_98 = arith.addi %add3A_97, %shift_right_logical3A_18 : vector<16xi32>
        %gather3A_99 = tpu.vector_load_idx %arg10[%add3A_98] : memref<4096xf32, #tpu.memory_space<vmem>>[vector<16xi32>], vector<16xf32>,
        %mul3A_100 = arith.constant 32 : i32
        %mul3A_101 = arith.muli %scan3A_61, %mul3A_100 : i32
        %get3A_102 = arith.index_cast %mul3A_101 : i32 to index
        %get3A_103 = tpu.vector_load %arg8[%get3A_102] {strides = array<i32>} : memref<8192xf32, #tpu.memory_space<vmem>>, vector<16xf32>,
        %mul3A_104 = arith.mulf %gather3A, %get3A_103 : vector<16xf32>
        %add3A_105 = arith.addf %scan3A_63, %mul3A_104 : vector<16xf32>
        %mul3A_106 = arith.constant 32 : i32
        %mul3A_107 = arith.muli %scan3A_61, %mul3A_106 : i32
        %add3A_108 = arith.constant 16 : i32
        %add3A_109 = arith.addi %mul3A_107, %add3A_108 : i32
        %get3A_110 = arith.index_cast %add3A_109 : i32 to index
        %get3A_111 = tpu.vector_load %arg8[%get3A_110] {strides = array<i32>} : memref<8192xf32, #tpu.memory_space<vmem>>, vector<16xf32>,
        %mul3A_112 = arith.mulf %gather3A_99, %get3A_111 : vector<16xf32>
        %add3A_113 = arith.addf %add3A_105, %mul3A_112 : vector<16xf32>
        %scan3A_114 = arith.constant 1 : i32
        %scan3A_115 = arith.addi %scan3A_61, %scan3A_114 : i32
        %mul3A_116 = arith.constant 16 : i32
        %mul3A_117 = arith.muli %scan3A_115, %mul3A_116 : i32
        %get3A_118 = arith.index_cast %mul3A_117 : i32 to index
        %get3A_119 = tpu.vector_load %arg7[%get3A_118] {strides = array<i32>} : memref<4096xf32, #tpu.memory_space<vmem>>, vector<16xf32>,
        %bitcast_convert_type3A_120 = tpu.bitcast %get3A_119 : vector<16xf32> -> vector<16xi32>
        %lt3A_121 = arith.constant 0 : i32
        %lt3A_122 = vector.broadcast %lt3A_121 : i32 to vector<16xi32>
        %lt3A_123 = arith.cmpi slt, %bitcast_convert_type3A_120, %lt3A_122 : vector<16xi32>
        %xor3A_124 = arith.constant 2147483647 : i32
        %xor3A_125 = vector.broadcast %xor3A_124 : i32 to vector<16xi32>
        %xor3A_126 = arith.xori %bitcast_convert_type3A_120, %xor3A_125 : vector<16xi32>
        %select_n3A_127 = arith.select %lt3A_123, %xor3A_126, %bitcast_convert_type3A_120 : vector<16xi1>, vector<16xi32>
        %gt3A_128 = arith.cmpi sgt, %select_n3A_127, %get3A_13 : vector<16xi32>
        %eq3A_129 = arith.cmpi eq, %select_n3A_127, %get3A_13 : vector<16xi32>
        %convert_element_type3A_130 = arith.extui %eq3A_129 : vector<16xi1> to vector<16xi32>
        %broadcast_in_dim3A_131 = arith.constant true
        %broadcast_in_dim3A_132 = vector.broadcast %broadcast_in_dim3A_131 : i1 to vector<16xi1>
        %masked_cumsum3A_133 = tpu.scan <sum>, %convert_element_type3A_130 masked %broadcast_in_dim3A_132 : vector<16xi32>, vector<16xi1> -> vector<16xi32>
        %add3A_134 = arith.addi %add3A_88, %masked_cumsum3A_133 : vector<16xi32>
        %le3A_135 = arith.cmpi sle, %add3A_134, %get3A_15 : vector<16xi32>
        %and3A_136 = arith.andi %eq3A_129, %le3A_135 : vector<16xi1>
        %or3A_137 = arith.ori %gt3A_128, %and3A_136 : vector<16xi1>
        %jit3A_138 = arith.constant 0.000000e+00 : f32
        %broadcast_in_dim3A_139 = vector.broadcast %scan3A : f32 to vector<16xf32>
        %broadcast_in_dim3A_140 = vector.broadcast %jit3A_138 : f32 to vector<16xf32>
        %select_n3A_141 = arith.select %or3A_137, %broadcast_in_dim3A_139, %broadcast_in_dim3A_140 : vector<16xi1>, vector<16xf32>
        %mul3A_142 = arith.constant 16 : i32
        %mul3A_143 = arith.muli %scan3A_115, %mul3A_142 : i32
        %swap3A_144 = arith.index_cast %mul3A_143 : i32 to index
        %swap3A_145 = tpu.vector_load %arg10[%swap3A_144] {strides = array<i32>} : memref<4096xf32, #tpu.memory_space<vmem>>, vector<16xf32>,
        tpu.vector_store %arg10[%swap3A_144], %select_n3A_141 {strides = array<i32>} : memref<4096xf32, #tpu.memory_space<vmem>>, vector<16xf32>,
        %all_reduce_population_count3A_146 = tpu.all_reduce %eq3A_129 {dim = 0 : i64, kind = #tpu.reduction_kind<sum>} : vector<16xi1> -> vector<16xi32>
        %add3A_147 = arith.addi %add3A_88, %all_reduce_population_count3A_146 : vector<16xi32>
        %mul3A_148 = arith.constant 16 : i32
        %mul3A_149 = arith.muli %scan3A_115, %mul3A_148 : i32
        %add3A_150 = vector.broadcast %mul3A_149 : i32 to vector<16xi32>
        %add3A_151 = arith.addi %add3A_150, %shift_right_logical3A_18 : vector<16xi32>
        %gather3A_152 = tpu.vector_load_idx %arg10[%add3A_151] : memref<4096xf32, #tpu.memory_space<vmem>>[vector<16xi32>], vector<16xf32>,
        %mul3A_153 = arith.constant 16 : i32
        %mul3A_154 = arith.muli %scan3A_115, %mul3A_153 : i32
        %add3A_155 = arith.constant 8 : i32
        %add3A_156 = arith.addi %mul3A_154, %add3A_155 : i32
        %add3A_157 = vector.broadcast %add3A_156 : i32 to vector<16xi32>
        %add3A_158 = arith.addi %add3A_157, %shift_right_logical3A_18 : vector<16xi32>
        %gather3A_159 = tpu.vector_load_idx %arg10[%add3A_158] : memref<4096xf32, #tpu.memory_space<vmem>>[vector<16xi32>], vector<16xf32>,
        %mul3A_160 = arith.constant 32 : i32
        %mul3A_161 = arith.muli %scan3A_115, %mul3A_160 : i32
        %get3A_162 = arith.index_cast %mul3A_161 : i32 to index
        %get3A_163 = tpu.vector_load %arg8[%get3A_162] {strides = array<i32>} : memref<8192xf32, #tpu.memory_space<vmem>>, vector<16xf32>,
        %mul3A_164 = arith.mulf %gather3A_152, %get3A_163 : vector<16xf32>
        %add3A_165 = arith.addf %add3A_113, %mul3A_164 : vector<16xf32>
        %mul3A_166 = arith.constant 32 : i32
        %mul3A_167 = arith.muli %scan3A_115, %mul3A_166 : i32
        %add3A_168 = arith.constant 16 : i32
        %add3A_169 = arith.addi %mul3A_167, %add3A_168 : i32
        %get3A_170 = arith.index_cast %add3A_169 : i32 to index
        %get3A_171 = tpu.vector_load %arg8[%get3A_170] {strides = array<i32>} : memref<8192xf32, #tpu.memory_space<vmem>>, vector<16xf32>,
        %mul3A_172 = arith.mulf %gather3A_159, %get3A_171 : vector<16xf32>
        %add3A_173 = arith.addf %add3A_165, %mul3A_172 : vector<16xf32>
        %scan3A_174 = arith.constant 2 : i32
        %scan3A_175 = arith.addi %scan3A_61, %scan3A_174 : i32
        %mul3A_176 = arith.constant 16 : i32
        %mul3A_177 = arith.muli %scan3A_175, %mul3A_176 : i32
        %get3A_178 = arith.index_cast %mul3A_177 : i32 to index
        %get3A_179 = tpu.vector_load %arg7[%get3A_178] {strides = array<i32>} : memref<4096xf32, #tpu.memory_space<vmem>>, vector<16xf32>,
        %bitcast_convert_type3A_180 = tpu.bitcast %get3A_179 : vector<16xf32> -> vector<16xi32>
        %lt3A_181 = arith.constant 0 : i32
        %lt3A_182 = vector.broadcast %lt3A_181 : i32 to vector<16xi32>
        %lt3A_183 = arith.cmpi slt, %bitcast_convert_type3A_180, %lt3A_182 : vector<16xi32>
        %xor3A_184 = arith.constant 2147483647 : i32
        %xor3A_185 = vector.broadcast %xor3A_184 : i32 to vector<16xi32>
        %xor3A_186 = arith.xori %bitcast_convert_type3A_180, %xor3A_185 : vector<16xi32>
        %select_n3A_187 = arith.select %lt3A_183, %xor3A_186, %bitcast_convert_type3A_180 : vector<16xi1>, vector<16xi32>
        %gt3A_188 = arith.cmpi sgt, %select_n3A_187, %get3A_13 : vector<16xi32>
        %eq3A_189 = arith.cmpi eq, %select_n3A_187, %get3A_13 : vector<16xi32>
        %convert_element_type3A_190 = arith.extui %eq3A_189 : vector<16xi1> to vector<16xi32>
        %broadcast_in_dim3A_191 = arith.constant true
        %broadcast_in_dim3A_192 = vector.broadcast %broadcast_in_dim3A_191 : i1 to vector<16xi1>
        %masked_cumsum3A_193 = tpu.scan <sum>, %convert_element_type3A_190 masked %broadcast_in_dim3A_192 : vector<16xi32>, vector<16xi1> -> vector<16xi32>
        %add3A_194 = arith.addi %add3A_147, %masked_cumsum3A_193 : vector<16xi32>
        %le3A_195 = arith.cmpi sle, %add3A_194, %get3A_15 : vector<16xi32>
        %and3A_196 = arith.andi %eq3A_189, %le3A_195 : vector<16xi1>
        %or3A_197 = arith.ori %gt3A_188, %and3A_196 : vector<16xi1>
        %jit3A_198 = arith.constant 0.000000e+00 : f32
        %broadcast_in_dim3A_199 = vector.broadcast %scan3A : f32 to vector<16xf32>
        %broadcast_in_dim3A_200 = vector.broadcast %jit3A_198 : f32 to vector<16xf32>
        %select_n3A_201 = arith.select %or3A_197, %broadcast_in_dim3A_199, %broadcast_in_dim3A_200 : vector<16xi1>, vector<16xf32>
        %mul3A_202 = arith.constant 16 : i32
        %mul3A_203 = arith.muli %scan3A_175, %mul3A_202 : i32
        %swap3A_204 = arith.index_cast %mul3A_203 : i32 to index
        %swap3A_205 = tpu.vector_load %arg10[%swap3A_204] {strides = array<i32>} : memref<4096xf32, #tpu.memory_space<vmem>>, vector<16xf32>,
        tpu.vector_store %arg10[%swap3A_204], %select_n3A_201 {strides = array<i32>} : memref<4096xf32, #tpu.memory_space<vmem>>, vector<16xf32>,
        %all_reduce_population_count3A_206 = tpu.all_reduce %eq3A_189 {dim = 0 : i64, kind = #tpu.reduction_kind<sum>} : vector<16xi1> -> vector<16xi32>
        %add3A_207 = arith.addi %add3A_147, %all_reduce_population_count3A_206 : vector<16xi32>
        %mul3A_208 = arith.constant 16 : i32
        %mul3A_209 = arith.muli %scan3A_175, %mul3A_208 : i32
        %add3A_210 = vector.broadcast %mul3A_209 : i32 to vector<16xi32>
        %add3A_211 = arith.addi %add3A_210, %shift_right_logical3A_18 : vector<16xi32>
        %gather3A_212 = tpu.vector_load_idx %arg10[%add3A_211] : memref<4096xf32, #tpu.memory_space<vmem>>[vector<16xi32>], vector<16xf32>,
        %mul3A_213 = arith.constant 16 : i32
        %mul3A_214 = arith.muli %scan3A_175, %mul3A_213 : i32
        %add3A_215 = arith.constant 8 : i32
        %add3A_216 = arith.addi %mul3A_214, %add3A_215 : i32
        %add3A_217 = vector.broadcast %add3A_216 : i32 to vector<16xi32>
        %add3A_218 = arith.addi %add3A_217, %shift_right_logical3A_18 : vector<16xi32>
        %gather3A_219 = tpu.vector_load_idx %arg10[%add3A_218] : memref<4096xf32, #tpu.memory_space<vmem>>[vector<16xi32>], vector<16xf32>,
        %mul3A_220 = arith.constant 32 : i32
        %mul3A_221 = arith.muli %scan3A_175, %mul3A_220 : i32
        %get3A_222 = arith.index_cast %mul3A_221 : i32 to index
        %get3A_223 = tpu.vector_load %arg8[%get3A_222] {strides = array<i32>} : memref<8192xf32, #tpu.memory_space<vmem>>, vector<16xf32>,
        %mul3A_224 = arith.mulf %gather3A_212, %get3A_223 : vector<16xf32>
        %add3A_225 = arith.addf %add3A_173, %mul3A_224 : vector<16xf32>
        %mul3A_226 = arith.constant 32 : i32
        %mul3A_227 = arith.muli %scan3A_175, %mul3A_226 : i32
        %add3A_228 = arith.constant 16 : i32
        %add3A_229 = arith.addi %mul3A_227, %add3A_228 : i32
        %get3A_230 = arith.index_cast %add3A_229 : i32 to index
        %get3A_231 = tpu.vector_load %arg8[%get3A_230] {strides = array<i32>} : memref<8192xf32, #tpu.memory_space<vmem>>, vector<16xf32>,
        %mul3A_232 = arith.mulf %gather3A_219, %get3A_231 : vector<16xf32>
        %add3A_233 = arith.addf %add3A_225, %mul3A_232 : vector<16xf32>
        %scan3A_234 = arith.constant 3 : i32
        %scan3A_235 = arith.addi %scan3A_61, %scan3A_234 : i32
        %mul3A_236 = arith.constant 16 : i32
        %mul3A_237 = arith.muli %scan3A_235, %mul3A_236 : i32
        %get3A_238 = arith.index_cast %mul3A_237 : i32 to index
        %get3A_239 = tpu.vector_load %arg7[%get3A_238] {strides = array<i32>} : memref<4096xf32, #tpu.memory_space<vmem>>, vector<16xf32>,
        %bitcast_convert_type3A_240 = tpu.bitcast %get3A_239 : vector<16xf32> -> vector<16xi32>
        %lt3A_241 = arith.constant 0 : i32
        %lt3A_242 = vector.broadcast %lt3A_241 : i32 to vector<16xi32>
        %lt3A_243 = arith.cmpi slt, %bitcast_convert_type3A_240, %lt3A_242 : vector<16xi32>
        %xor3A_244 = arith.constant 2147483647 : i32
        %xor3A_245 = vector.broadcast %xor3A_244 : i32 to vector<16xi32>
        %xor3A_246 = arith.xori %bitcast_convert_type3A_240, %xor3A_245 : vector<16xi32>
        %select_n3A_247 = arith.select %lt3A_243, %xor3A_246, %bitcast_convert_type3A_240 : vector<16xi1>, vector<16xi32>
        %gt3A_248 = arith.cmpi sgt, %select_n3A_247, %get3A_13 : vector<16xi32>
        %eq3A_249 = arith.cmpi eq, %select_n3A_247, %get3A_13 : vector<16xi32>
        %convert_element_type3A_250 = arith.extui %eq3A_249 : vector<16xi1> to vector<16xi32>
        %broadcast_in_dim3A_251 = arith.constant true
        %broadcast_in_dim3A_252 = vector.broadcast %broadcast_in_dim3A_251 : i1 to vector<16xi1>
        %masked_cumsum3A_253 = tpu.scan <sum>, %convert_element_type3A_250 masked %broadcast_in_dim3A_252 : vector<16xi32>, vector<16xi1> -> vector<16xi32>
        %add3A_254 = arith.addi %add3A_207, %masked_cumsum3A_253 : vector<16xi32>
        %le3A_255 = arith.cmpi sle, %add3A_254, %get3A_15 : vector<16xi32>
        %and3A_256 = arith.andi %eq3A_249, %le3A_255 : vector<16xi1>
        %or3A_257 = arith.ori %gt3A_248, %and3A_256 : vector<16xi1>
        %jit3A_258 = arith.constant 0.000000e+00 : f32
        %broadcast_in_dim3A_259 = vector.broadcast %scan3A : f32 to vector<16xf32>
        %broadcast_in_dim3A_260 = vector.broadcast %jit3A_258 : f32 to vector<16xf32>
        %select_n3A_261 = arith.select %or3A_257, %broadcast_in_dim3A_259, %broadcast_in_dim3A_260 : vector<16xi1>, vector<16xf32>
        %mul3A_262 = arith.constant 16 : i32
        %mul3A_263 = arith.muli %scan3A_235, %mul3A_262 : i32
        %swap3A_264 = arith.index_cast %mul3A_263 : i32 to index
        %swap3A_265 = tpu.vector_load %arg10[%swap3A_264] {strides = array<i32>} : memref<4096xf32, #tpu.memory_space<vmem>>, vector<16xf32>,
        tpu.vector_store %arg10[%swap3A_264], %select_n3A_261 {strides = array<i32>} : memref<4096xf32, #tpu.memory_space<vmem>>, vector<16xf32>,
        %all_reduce_population_count3A_266 = tpu.all_reduce %eq3A_249 {dim = 0 : i64, kind = #tpu.reduction_kind<sum>} : vector<16xi1> -> vector<16xi32>
        %add3A_267 = arith.addi %add3A_207, %all_reduce_population_count3A_266 : vector<16xi32>
        %mul3A_268 = arith.constant 16 : i32
        %mul3A_269 = arith.muli %scan3A_235, %mul3A_268 : i32
        %add3A_270 = vector.broadcast %mul3A_269 : i32 to vector<16xi32>
        %add3A_271 = arith.addi %add3A_270, %shift_right_logical3A_18 : vector<16xi32>
        %gather3A_272 = tpu.vector_load_idx %arg10[%add3A_271] : memref<4096xf32, #tpu.memory_space<vmem>>[vector<16xi32>], vector<16xf32>,
        %mul3A_273 = arith.constant 16 : i32
        %mul3A_274 = arith.muli %scan3A_235, %mul3A_273 : i32
        %add3A_275 = arith.constant 8 : i32
        %add3A_276 = arith.addi %mul3A_274, %add3A_275 : i32
        %add3A_277 = vector.broadcast %add3A_276 : i32 to vector<16xi32>
        %add3A_278 = arith.addi %add3A_277, %shift_right_logical3A_18 : vector<16xi32>
        %gather3A_279 = tpu.vector_load_idx %arg10[%add3A_278] : memref<4096xf32, #tpu.memory_space<vmem>>[vector<16xi32>], vector<16xf32>,
        %mul3A_280 = arith.constant 32 : i32
        %mul3A_281 = arith.muli %scan3A_235, %mul3A_280 : i32
        %get3A_282 = arith.index_cast %mul3A_281 : i32 to index
        %get3A_283 = tpu.vector_load %arg8[%get3A_282] {strides = array<i32>} : memref<8192xf32, #tpu.memory_space<vmem>>, vector<16xf32>,
        %mul3A_284 = arith.mulf %gather3A_272, %get3A_283 : vector<16xf32>
        %add3A_285 = arith.addf %add3A_233, %mul3A_284 : vector<16xf32>
        %mul3A_286 = arith.constant 32 : i32
        %mul3A_287 = arith.muli %scan3A_235, %mul3A_286 : i32
        %add3A_288 = arith.constant 16 : i32
        %add3A_289 = arith.addi %mul3A_287, %add3A_288 : i32
        %get3A_290 = arith.index_cast %add3A_289 : i32 to index
        %get3A_291 = tpu.vector_load %arg8[%get3A_290] {strides = array<i32>} : memref<8192xf32, #tpu.memory_space<vmem>>, vector<16xf32>,
        %mul3A_292 = arith.mulf %gather3A_279, %get3A_291 : vector<16xf32>
        %add3A_293 = arith.addf %add3A_285, %mul3A_292 : vector<16xf32>
        %scan3A_294 = arith.constant 4 : i32
        %scan3A_295 = arith.addi %scan3A_61, %scan3A_294 : i32
        %mul3A_296 = arith.constant 16 : i32
        %mul3A_297 = arith.muli %scan3A_295, %mul3A_296 : i32
        %get3A_298 = arith.index_cast %mul3A_297 : i32 to index
        %get3A_299 = tpu.vector_load %arg7[%get3A_298] {strides = array<i32>} : memref<4096xf32, #tpu.memory_space<vmem>>, vector<16xf32>,
        %bitcast_convert_type3A_300 = tpu.bitcast %get3A_299 : vector<16xf32> -> vector<16xi32>
        %lt3A_301 = arith.constant 0 : i32
        %lt3A_302 = vector.broadcast %lt3A_301 : i32 to vector<16xi32>
        %lt3A_303 = arith.cmpi slt, %bitcast_convert_type3A_300, %lt3A_302 : vector<16xi32>
        %xor3A_304 = arith.constant 2147483647 : i32
        %xor3A_305 = vector.broadcast %xor3A_304 : i32 to vector<16xi32>
        %xor3A_306 = arith.xori %bitcast_convert_type3A_300, %xor3A_305 : vector<16xi32>
        %select_n3A_307 = arith.select %lt3A_303, %xor3A_306, %bitcast_convert_type3A_300 : vector<16xi1>, vector<16xi32>
        %gt3A_308 = arith.cmpi sgt, %select_n3A_307, %get3A_13 : vector<16xi32>
        %eq3A_309 = arith.cmpi eq, %select_n3A_307, %get3A_13 : vector<16xi32>
        %convert_element_type3A_310 = arith.extui %eq3A_309 : vector<16xi1> to vector<16xi32>
        %broadcast_in_dim3A_311 = arith.constant true
        %broadcast_in_dim3A_312 = vector.broadcast %broadcast_in_dim3A_311 : i1 to vector<16xi1>
        %masked_cumsum3A_313 = tpu.scan <sum>, %convert_element_type3A_310 masked %broadcast_in_dim3A_312 : vector<16xi32>, vector<16xi1> -> vector<16xi32>
        %add3A_314 = arith.addi %add3A_267, %masked_cumsum3A_313 : vector<16xi32>
        %le3A_315 = arith.cmpi sle, %add3A_314, %get3A_15 : vector<16xi32>
        %and3A_316 = arith.andi %eq3A_309, %le3A_315 : vector<16xi1>
        %or3A_317 = arith.ori %gt3A_308, %and3A_316 : vector<16xi1>
        %jit3A_318 = arith.constant 0.000000e+00 : f32
        %broadcast_in_dim3A_319 = vector.broadcast %scan3A : f32 to vector<16xf32>
        %broadcast_in_dim3A_320 = vector.broadcast %jit3A_318 : f32 to vector<16xf32>
        %select_n3A_321 = arith.select %or3A_317, %broadcast_in_dim3A_319, %broadcast_in_dim3A_320 : vector<16xi1>, vector<16xf32>
        %mul3A_322 = arith.constant 16 : i32
        %mul3A_323 = arith.muli %scan3A_295, %mul3A_322 : i32
        %swap3A_324 = arith.index_cast %mul3A_323 : i32 to index
        %swap3A_325 = tpu.vector_load %arg10[%swap3A_324] {strides = array<i32>} : memref<4096xf32, #tpu.memory_space<vmem>>, vector<16xf32>,
        tpu.vector_store %arg10[%swap3A_324], %select_n3A_321 {strides = array<i32>} : memref<4096xf32, #tpu.memory_space<vmem>>, vector<16xf32>,
        %all_reduce_population_count3A_326 = tpu.all_reduce %eq3A_309 {dim = 0 : i64, kind = #tpu.reduction_kind<sum>} : vector<16xi1> -> vector<16xi32>
        %add3A_327 = arith.addi %add3A_267, %all_reduce_population_count3A_326 : vector<16xi32>
        %mul3A_328 = arith.constant 16 : i32
        %mul3A_329 = arith.muli %scan3A_295, %mul3A_328 : i32
        %add3A_330 = vector.broadcast %mul3A_329 : i32 to vector<16xi32>
        %add3A_331 = arith.addi %add3A_330, %shift_right_logical3A_18 : vector<16xi32>
        %gather3A_332 = tpu.vector_load_idx %arg10[%add3A_331] : memref<4096xf32, #tpu.memory_space<vmem>>[vector<16xi32>], vector<16xf32>,
        %mul3A_333 = arith.constant 16 : i32
        %mul3A_334 = arith.muli %scan3A_295, %mul3A_333 : i32
        %add3A_335 = arith.constant 8 : i32
        %add3A_336 = arith.addi %mul3A_334, %add3A_335 : i32
        %add3A_337 = vector.broadcast %add3A_336 : i32 to vector<16xi32>
        %add3A_338 = arith.addi %add3A_337, %shift_right_logical3A_18 : vector<16xi32>
        %gather3A_339 = tpu.vector_load_idx %arg10[%add3A_338] : memref<4096xf32, #tpu.memory_space<vmem>>[vector<16xi32>], vector<16xf32>,
        %mul3A_340 = arith.constant 32 : i32
        %mul3A_341 = arith.muli %scan3A_295, %mul3A_340 : i32
        %get3A_342 = arith.index_cast %mul3A_341 : i32 to index
        %get3A_343 = tpu.vector_load %arg8[%get3A_342] {strides = array<i32>} : memref<8192xf32, #tpu.memory_space<vmem>>, vector<16xf32>,
        %mul3A_344 = arith.mulf %gather3A_332, %get3A_343 : vector<16xf32>
        %add3A_345 = arith.addf %add3A_293, %mul3A_344 : vector<16xf32>
        %mul3A_346 = arith.constant 32 : i32
        %mul3A_347 = arith.muli %scan3A_295, %mul3A_346 : i32
        %add3A_348 = arith.constant 16 : i32
        %add3A_349 = arith.addi %mul3A_347, %add3A_348 : i32
        %get3A_350 = arith.index_cast %add3A_349 : i32 to index
        %get3A_351 = tpu.vector_load %arg8[%get3A_350] {strides = array<i32>} : memref<8192xf32, #tpu.memory_space<vmem>>, vector<16xf32>,
        %mul3A_352 = arith.mulf %gather3A_339, %get3A_351 : vector<16xf32>
        %add3A_353 = arith.addf %add3A_345, %mul3A_352 : vector<16xf32>
        %scan3A_354 = arith.constant 5 : i32
        %scan3A_355 = arith.addi %scan3A_61, %scan3A_354 : i32
        %mul3A_356 = arith.constant 16 : i32
        %mul3A_357 = arith.muli %scan3A_355, %mul3A_356 : i32
        %get3A_358 = arith.index_cast %mul3A_357 : i32 to index
        %get3A_359 = tpu.vector_load %arg7[%get3A_358] {strides = array<i32>} : memref<4096xf32, #tpu.memory_space<vmem>>, vector<16xf32>,
        %bitcast_convert_type3A_360 = tpu.bitcast %get3A_359 : vector<16xf32> -> vector<16xi32>
        %lt3A_361 = arith.constant 0 : i32
        %lt3A_362 = vector.broadcast %lt3A_361 : i32 to vector<16xi32>
        %lt3A_363 = arith.cmpi slt, %bitcast_convert_type3A_360, %lt3A_362 : vector<16xi32>
        %xor3A_364 = arith.constant 2147483647 : i32
        %xor3A_365 = vector.broadcast %xor3A_364 : i32 to vector<16xi32>
        %xor3A_366 = arith.xori %bitcast_convert_type3A_360, %xor3A_365 : vector<16xi32>
        %select_n3A_367 = arith.select %lt3A_363, %xor3A_366, %bitcast_convert_type3A_360 : vector<16xi1>, vector<16xi32>
        %gt3A_368 = arith.cmpi sgt, %select_n3A_367, %get3A_13 : vector<16xi32>
        %eq3A_369 = arith.cmpi eq, %select_n3A_367, %get3A_13 : vector<16xi32>
        %convert_element_type3A_370 = arith.extui %eq3A_369 : vector<16xi1> to vector<16xi32>
        %broadcast_in_dim3A_371 = arith.constant true
        %broadcast_in_dim3A_372 = vector.broadcast %broadcast_in_dim3A_371 : i1 to vector<16xi1>
        %masked_cumsum3A_373 = tpu.scan <sum>, %convert_element_type3A_370 masked %broadcast_in_dim3A_372 : vector<16xi32>, vector<16xi1> -> vector<16xi32>
        %add3A_374 = arith.addi %add3A_327, %masked_cumsum3A_373 : vector<16xi32>
        %le3A_375 = arith.cmpi sle, %add3A_374, %get3A_15 : vector<16xi32>
        %and3A_376 = arith.andi %eq3A_369, %le3A_375 : vector<16xi1>
        %or3A_377 = arith.ori %gt3A_368, %and3A_376 : vector<16xi1>
        %jit3A_378 = arith.constant 0.000000e+00 : f32
        %broadcast_in_dim3A_379 = vector.broadcast %scan3A : f32 to vector<16xf32>
        %broadcast_in_dim3A_380 = vector.broadcast %jit3A_378 : f32 to vector<16xf32>
        %select_n3A_381 = arith.select %or3A_377, %broadcast_in_dim3A_379, %broadcast_in_dim3A_380 : vector<16xi1>, vector<16xf32>
        %mul3A_382 = arith.constant 16 : i32
        %mul3A_383 = arith.muli %scan3A_355, %mul3A_382 : i32
        %swap3A_384 = arith.index_cast %mul3A_383 : i32 to index
        %swap3A_385 = tpu.vector_load %arg10[%swap3A_384] {strides = array<i32>} : memref<4096xf32, #tpu.memory_space<vmem>>, vector<16xf32>,
        tpu.vector_store %arg10[%swap3A_384], %select_n3A_381 {strides = array<i32>} : memref<4096xf32, #tpu.memory_space<vmem>>, vector<16xf32>,
        %all_reduce_population_count3A_386 = tpu.all_reduce %eq3A_369 {dim = 0 : i64, kind = #tpu.reduction_kind<sum>} : vector<16xi1> -> vector<16xi32>
        %add3A_387 = arith.addi %add3A_327, %all_reduce_population_count3A_386 : vector<16xi32>
        %mul3A_388 = arith.constant 16 : i32
        %mul3A_389 = arith.muli %scan3A_355, %mul3A_388 : i32
        %add3A_390 = vector.broadcast %mul3A_389 : i32 to vector<16xi32>
        %add3A_391 = arith.addi %add3A_390, %shift_right_logical3A_18 : vector<16xi32>
        %gather3A_392 = tpu.vector_load_idx %arg10[%add3A_391] : memref<4096xf32, #tpu.memory_space<vmem>>[vector<16xi32>], vector<16xf32>,
        %mul3A_393 = arith.constant 16 : i32
        %mul3A_394 = arith.muli %scan3A_355, %mul3A_393 : i32
        %add3A_395 = arith.constant 8 : i32
        %add3A_396 = arith.addi %mul3A_394, %add3A_395 : i32
        %add3A_397 = vector.broadcast %add3A_396 : i32 to vector<16xi32>
        %add3A_398 = arith.addi %add3A_397, %shift_right_logical3A_18 : vector<16xi32>
        %gather3A_399 = tpu.vector_load_idx %arg10[%add3A_398] : memref<4096xf32, #tpu.memory_space<vmem>>[vector<16xi32>], vector<16xf32>,
        %mul3A_400 = arith.constant 32 : i32
        %mul3A_401 = arith.muli %scan3A_355, %mul3A_400 : i32
        %get3A_402 = arith.index_cast %mul3A_401 : i32 to index
        %get3A_403 = tpu.vector_load %arg8[%get3A_402] {strides = array<i32>} : memref<8192xf32, #tpu.memory_space<vmem>>, vector<16xf32>,
        %mul3A_404 = arith.mulf %gather3A_392, %get3A_403 : vector<16xf32>
        %add3A_405 = arith.addf %add3A_353, %mul3A_404 : vector<16xf32>
        %mul3A_406 = arith.constant 32 : i32
        %mul3A_407 = arith.muli %scan3A_355, %mul3A_406 : i32
        %add3A_408 = arith.constant 16 : i32
        %add3A_409 = arith.addi %mul3A_407, %add3A_408 : i32
        %get3A_410 = arith.index_cast %add3A_409 : i32 to index
        %get3A_411 = tpu.vector_load %arg8[%get3A_410] {strides = array<i32>} : memref<8192xf32, #tpu.memory_space<vmem>>, vector<16xf32>,
        %mul3A_412 = arith.mulf %gather3A_399, %get3A_411 : vector<16xf32>
        %add3A_413 = arith.addf %add3A_405, %mul3A_412 : vector<16xf32>
        %scan3A_414 = arith.constant 6 : i32
        %scan3A_415 = arith.addi %scan3A_61, %scan3A_414 : i32
        %mul3A_416 = arith.constant 16 : i32
        %mul3A_417 = arith.muli %scan3A_415, %mul3A_416 : i32
        %get3A_418 = arith.index_cast %mul3A_417 : i32 to index
        %get3A_419 = tpu.vector_load %arg7[%get3A_418] {strides = array<i32>} : memref<4096xf32, #tpu.memory_space<vmem>>, vector<16xf32>,
        %bitcast_convert_type3A_420 = tpu.bitcast %get3A_419 : vector<16xf32> -> vector<16xi32>
        %lt3A_421 = arith.constant 0 : i32
        %lt3A_422 = vector.broadcast %lt3A_421 : i32 to vector<16xi32>
        %lt3A_423 = arith.cmpi slt, %bitcast_convert_type3A_420, %lt3A_422 : vector<16xi32>
        %xor3A_424 = arith.constant 2147483647 : i32
        %xor3A_425 = vector.broadcast %xor3A_424 : i32 to vector<16xi32>
        %xor3A_426 = arith.xori %bitcast_convert_type3A_420, %xor3A_425 : vector<16xi32>
        %select_n3A_427 = arith.select %lt3A_423, %xor3A_426, %bitcast_convert_type3A_420 : vector<16xi1>, vector<16xi32>
        %gt3A_428 = arith.cmpi sgt, %select_n3A_427, %get3A_13 : vector<16xi32>
        %eq3A_429 = arith.cmpi eq, %select_n3A_427, %get3A_13 : vector<16xi32>
        %convert_element_type3A_430 = arith.extui %eq3A_429 : vector<16xi1> to vector<16xi32>
        %broadcast_in_dim3A_431 = arith.constant true
        %broadcast_in_dim3A_432 = vector.broadcast %broadcast_in_dim3A_431 : i1 to vector<16xi1>
        %masked_cumsum3A_433 = tpu.scan <sum>, %convert_element_type3A_430 masked %broadcast_in_dim3A_432 : vector<16xi32>, vector<16xi1> -> vector<16xi32>
        %add3A_434 = arith.addi %add3A_387, %masked_cumsum3A_433 : vector<16xi32>
        %le3A_435 = arith.cmpi sle, %add3A_434, %get3A_15 : vector<16xi32>
        %and3A_436 = arith.andi %eq3A_429, %le3A_435 : vector<16xi1>
        %or3A_437 = arith.ori %gt3A_428, %and3A_436 : vector<16xi1>
        %jit3A_438 = arith.constant 0.000000e+00 : f32
        %broadcast_in_dim3A_439 = vector.broadcast %scan3A : f32 to vector<16xf32>
        %broadcast_in_dim3A_440 = vector.broadcast %jit3A_438 : f32 to vector<16xf32>
        %select_n3A_441 = arith.select %or3A_437, %broadcast_in_dim3A_439, %broadcast_in_dim3A_440 : vector<16xi1>, vector<16xf32>
        %mul3A_442 = arith.constant 16 : i32
        %mul3A_443 = arith.muli %scan3A_415, %mul3A_442 : i32
        %swap3A_444 = arith.index_cast %mul3A_443 : i32 to index
        %swap3A_445 = tpu.vector_load %arg10[%swap3A_444] {strides = array<i32>} : memref<4096xf32, #tpu.memory_space<vmem>>, vector<16xf32>,
        tpu.vector_store %arg10[%swap3A_444], %select_n3A_441 {strides = array<i32>} : memref<4096xf32, #tpu.memory_space<vmem>>, vector<16xf32>,
        %all_reduce_population_count3A_446 = tpu.all_reduce %eq3A_429 {dim = 0 : i64, kind = #tpu.reduction_kind<sum>} : vector<16xi1> -> vector<16xi32>
        %add3A_447 = arith.addi %add3A_387, %all_reduce_population_count3A_446 : vector<16xi32>
        %mul3A_448 = arith.constant 16 : i32
        %mul3A_449 = arith.muli %scan3A_415, %mul3A_448 : i32
        %add3A_450 = vector.broadcast %mul3A_449 : i32 to vector<16xi32>
        %add3A_451 = arith.addi %add3A_450, %shift_right_logical3A_18 : vector<16xi32>
        %gather3A_452 = tpu.vector_load_idx %arg10[%add3A_451] : memref<4096xf32, #tpu.memory_space<vmem>>[vector<16xi32>], vector<16xf32>,
        %mul3A_453 = arith.constant 16 : i32
        %mul3A_454 = arith.muli %scan3A_415, %mul3A_453 : i32
        %add3A_455 = arith.constant 8 : i32
        %add3A_456 = arith.addi %mul3A_454, %add3A_455 : i32
        %add3A_457 = vector.broadcast %add3A_456 : i32 to vector<16xi32>
        %add3A_458 = arith.addi %add3A_457, %shift_right_logical3A_18 : vector<16xi32>
        %gather3A_459 = tpu.vector_load_idx %arg10[%add3A_458] : memref<4096xf32, #tpu.memory_space<vmem>>[vector<16xi32>], vector<16xf32>,
        %mul3A_460 = arith.constant 32 : i32
        %mul3A_461 = arith.muli %scan3A_415, %mul3A_460 : i32
        %get3A_462 = arith.index_cast %mul3A_461 : i32 to index
        %get3A_463 = tpu.vector_load %arg8[%get3A_462] {strides = array<i32>} : memref<8192xf32, #tpu.memory_space<vmem>>, vector<16xf32>,
        %mul3A_464 = arith.mulf %gather3A_452, %get3A_463 : vector<16xf32>
        %add3A_465 = arith.addf %add3A_413, %mul3A_464 : vector<16xf32>
        %mul3A_466 = arith.constant 32 : i32
        %mul3A_467 = arith.muli %scan3A_415, %mul3A_466 : i32
        %add3A_468 = arith.constant 16 : i32
        %add3A_469 = arith.addi %mul3A_467, %add3A_468 : i32
        %get3A_470 = arith.index_cast %add3A_469 : i32 to index
        %get3A_471 = tpu.vector_load %arg8[%get3A_470] {strides = array<i32>} : memref<8192xf32, #tpu.memory_space<vmem>>, vector<16xf32>,
        %mul3A_472 = arith.mulf %gather3A_459, %get3A_471 : vector<16xf32>
        %add3A_473 = arith.addf %add3A_465, %mul3A_472 : vector<16xf32>
        %scan3A_474 = arith.constant 7 : i32
        %scan3A_475 = arith.addi %scan3A_61, %scan3A_474 : i32
        %mul3A_476 = arith.constant 16 : i32
        %mul3A_477 = arith.muli %scan3A_475, %mul3A_476 : i32
        %get3A_478 = arith.index_cast %mul3A_477 : i32 to index
        %get3A_479 = tpu.vector_load %arg7[%get3A_478] {strides = array<i32>} : memref<4096xf32, #tpu.memory_space<vmem>>, vector<16xf32>,
        %bitcast_convert_type3A_480 = tpu.bitcast %get3A_479 : vector<16xf32> -> vector<16xi32>
        %lt3A_481 = arith.constant 0 : i32
        %lt3A_482 = vector.broadcast %lt3A_481 : i32 to vector<16xi32>
        %lt3A_483 = arith.cmpi slt, %bitcast_convert_type3A_480, %lt3A_482 : vector<16xi32>
        %xor3A_484 = arith.constant 2147483647 : i32
        %xor3A_485 = vector.broadcast %xor3A_484 : i32 to vector<16xi32>
        %xor3A_486 = arith.xori %bitcast_convert_type3A_480, %xor3A_485 : vector<16xi32>
        %select_n3A_487 = arith.select %lt3A_483, %xor3A_486, %bitcast_convert_type3A_480 : vector<16xi1>, vector<16xi32>
        %gt3A_488 = arith.cmpi sgt, %select_n3A_487, %get3A_13 : vector<16xi32>
        %eq3A_489 = arith.cmpi eq, %select_n3A_487, %get3A_13 : vector<16xi32>
        %convert_element_type3A_490 = arith.extui %eq3A_489 : vector<16xi1> to vector<16xi32>
        %broadcast_in_dim3A_491 = arith.constant true
        %broadcast_in_dim3A_492 = vector.broadcast %broadcast_in_dim3A_491 : i1 to vector<16xi1>
        %masked_cumsum3A_493 = tpu.scan <sum>, %convert_element_type3A_490 masked %broadcast_in_dim3A_492 : vector<16xi32>, vector<16xi1> -> vector<16xi32>
        %add3A_494 = arith.addi %add3A_447, %masked_cumsum3A_493 : vector<16xi32>
        %le3A_495 = arith.cmpi sle, %add3A_494, %get3A_15 : vector<16xi32>
        %and3A_496 = arith.andi %eq3A_489, %le3A_495 : vector<16xi1>
        %or3A_497 = arith.ori %gt3A_488, %and3A_496 : vector<16xi1>
        %jit3A_498 = arith.constant 0.000000e+00 : f32
        %broadcast_in_dim3A_499 = vector.broadcast %scan3A : f32 to vector<16xf32>
        %broadcast_in_dim3A_500 = vector.broadcast %jit3A_498 : f32 to vector<16xf32>
        %select_n3A_501 = arith.select %or3A_497, %broadcast_in_dim3A_499, %broadcast_in_dim3A_500 : vector<16xi1>, vector<16xf32>
        %mul3A_502 = arith.constant 16 : i32
        %mul3A_503 = arith.muli %scan3A_475, %mul3A_502 : i32
        %swap3A_504 = arith.index_cast %mul3A_503 : i32 to index
        %swap3A_505 = tpu.vector_load %arg10[%swap3A_504] {strides = array<i32>} : memref<4096xf32, #tpu.memory_space<vmem>>, vector<16xf32>,
        tpu.vector_store %arg10[%swap3A_504], %select_n3A_501 {strides = array<i32>} : memref<4096xf32, #tpu.memory_space<vmem>>, vector<16xf32>,
        %all_reduce_population_count3A_506 = tpu.all_reduce %eq3A_489 {dim = 0 : i64, kind = #tpu.reduction_kind<sum>} : vector<16xi1> -> vector<16xi32>
        %add3A_507 = arith.addi %add3A_447, %all_reduce_population_count3A_506 : vector<16xi32>
        %mul3A_508 = arith.constant 16 : i32
        %mul3A_509 = arith.muli %scan3A_475, %mul3A_508 : i32
        %add3A_510 = vector.broadcast %mul3A_509 : i32 to vector<16xi32>
        %add3A_511 = arith.addi %add3A_510, %shift_right_logical3A_18 : vector<16xi32>
        %gather3A_512 = tpu.vector_load_idx %arg10[%add3A_511] : memref<4096xf32, #tpu.memory_space<vmem>>[vector<16xi32>], vector<16xf32>,
        %mul3A_513 = arith.constant 16 : i32
        %mul3A_514 = arith.muli %scan3A_475, %mul3A_513 : i32
        %add3A_515 = arith.constant 8 : i32
        %add3A_516 = arith.addi %mul3A_514, %add3A_515 : i32
        %add3A_517 = vector.broadcast %add3A_516 : i32 to vector<16xi32>
        %add3A_518 = arith.addi %add3A_517, %shift_right_logical3A_18 : vector<16xi32>
        %gather3A_519 = tpu.vector_load_idx %arg10[%add3A_518] : memref<4096xf32, #tpu.memory_space<vmem>>[vector<16xi32>], vector<16xf32>,
        %mul3A_520 = arith.constant 32 : i32
        %mul3A_521 = arith.muli %scan3A_475, %mul3A_520 : i32
        %get3A_522 = arith.index_cast %mul3A_521 : i32 to index
        %get3A_523 = tpu.vector_load %arg8[%get3A_522] {strides = array<i32>} : memref<8192xf32, #tpu.memory_space<vmem>>, vector<16xf32>,
        %mul3A_524 = arith.mulf %gather3A_512, %get3A_523 : vector<16xf32>
        %add3A_525 = arith.addf %add3A_473, %mul3A_524 : vector<16xf32>
        %mul3A_526 = arith.constant 32 : i32
        %mul3A_527 = arith.muli %scan3A_475, %mul3A_526 : i32
        %add3A_528 = arith.constant 16 : i32
        %add3A_529 = arith.addi %mul3A_527, %add3A_528 : i32
        %get3A_530 = arith.index_cast %add3A_529 : i32 to index
        %get3A_531 = tpu.vector_load %arg8[%get3A_530] {strides = array<i32>} : memref<8192xf32, #tpu.memory_space<vmem>>, vector<16xf32>,
        %mul3A_532 = arith.mulf %gather3A_519, %get3A_531 : vector<16xf32>
        %add3A_533 = arith.addf %add3A_525, %mul3A_532 : vector<16xf32>
        scf.yield %add3A_507, %add3A_533 : vector<16xi32>, vector<16xf32>
      }
      %scan3A_26 = arith.constant 256 : i32
      %and3A = arith.constant 1 : i32
      %and3A_27 = vector.broadcast %and3A : i32 to vector<16xi32>
      %and3A_28 = arith.andi %iota3A, %and3A_27 : vector<16xi32>
      %eq3A = arith.constant 0 : i32
      %eq3A_29 = vector.broadcast %eq3A : i32 to vector<16xi32>
      %eq3A_30 = arith.cmpi eq, %and3A_28, %eq3A_29 : vector<16xi32>
      %jit3A = arith.constant 0.000000e+00 : f32
      %broadcast_in_dim3A_31 = vector.broadcast %jit3A : f32 to vector<16xf32>
      %select_n3A = arith.select %eq3A_30, %scan3A_25#1, %broadcast_in_dim3A_31 : vector<16xi1>, vector<16xf32>
      %reduce_sum3A = arith.constant true
      %reduce_sum3A_32 = vector.broadcast %reduce_sum3A : i1 to vector<16xi1>
      %reduce_sum3A_33 = tpu.scan <sum>, %select_n3A masked %reduce_sum3A_32 : vector<16xf32>, vector<16xi1> -> vector<16xf32>
      %reduce_sum3A_34 = vector.extract %reduce_sum3A_33[15] : f32 from vector<16xf32>
      %jit3A_35 = arith.constant 0.000000e+00 : f32
      %broadcast_in_dim3A_36 = vector.broadcast %jit3A_35 : f32 to vector<16xf32>
      %select_n3A_37 = arith.select %eq3A_30, %broadcast_in_dim3A_36, %scan3A_25#1 : vector<16xi1>, vector<16xf32>
      %reduce_sum3A_38 = arith.constant true
      %reduce_sum3A_39 = vector.broadcast %reduce_sum3A_38 : i1 to vector<16xi1>
      %reduce_sum3A_40 = tpu.scan <sum>, %select_n3A_37 masked %reduce_sum3A_39 : vector<16xf32>, vector<16xi1> -> vector<16xf32>
      %reduce_sum3A_41 = vector.extract %reduce_sum3A_40[15] : f32 from vector<16xf32>
      %eq3A_42 = arith.constant 0 : i32
      %eq3A_43 = vector.broadcast %eq3A_42 : i32 to vector<16xi32>
      %eq3A_44 = arith.cmpi eq, %iota3A, %eq3A_43 : vector<16xi32>
      %eq3A_45 = arith.constant 1 : i32
      %eq3A_46 = vector.broadcast %eq3A_45 : i32 to vector<16xi32>
      %eq3A_47 = arith.cmpi eq, %iota3A, %eq3A_46 : vector<16xi32>
      %jit3A_48 = arith.constant 0.000000e+00 : f32
      %broadcast_in_dim3A_49 = vector.broadcast %reduce_sum3A_41 : f32 to vector<16xf32>
      %broadcast_in_dim3A_50 = vector.broadcast %jit3A_48 : f32 to vector<16xf32>
      %select_n3A_51 = arith.select %eq3A_47, %broadcast_in_dim3A_49, %broadcast_in_dim3A_50 : vector<16xi1>, vector<16xf32>
      %broadcast_in_dim3A_52 = vector.broadcast %reduce_sum3A_34 : f32 to vector<16xf32>
      %select_n3A_53 = arith.select %eq3A_44, %broadcast_in_dim3A_52, %select_n3A_51 : vector<16xi1>, vector<16xf32>
      %swap3A = arith.constant 0 : index
      %swap3A_54 = tpu.vector_load %arg11[%swap3A] {strides = array<i32>} : memref<16xf32, #tpu.memory_space<vmem>>, vector<16xf32>,
      tpu.vector_store %arg11[%swap3A], %select_n3A_53 {strides = array<i32>} : memref<16xf32, #tpu.memory_space<vmem>>, vector<16xf32>,
      %mul3A_55 = arith.constant 4096 : i32
      %mul3A_56 = arith.muli %add3A, %mul3A_55 : i32
      %multiple_of3A_57 = tpu.assume_multiple %mul3A_56, 8 : i32
      "tpu.region"() ({
        %run_scoped3A = tpu.sem_alloc : memref<!tpu.dma_semaphore, #tpu.memory_space<semaphore_mem>>
        %dma_start3A = tpu.memref_slice %arg5[%multiple_of3A_57] : memref<16384xf32, #tpu.memory_space<hbm>> -> memref<4096xf32, #tpu.memory_space<hbm>>
        %dma_start3A_61 = tpu.memref_slice %arg5[%multiple_of3A_57] : memref<16384xf32, #tpu.memory_space<hbm>> -> memref<4096xf32, #tpu.memory_space<hbm>>
        tpu.enqueue_dma source(%arg10 : memref<4096xf32, #tpu.memory_space<vmem>>) target(%dma_start3A_61 : memref<4096xf32, #tpu.memory_space<hbm>>) target_semaphore(%run_scoped3A : memref<!tpu.dma_semaphore, #tpu.memory_space<semaphore_mem>>)
        %dma_wait3A = tpu.memref_slice %arg5[%multiple_of3A_57] : memref<16384xf32, #tpu.memory_space<hbm>> -> memref<4096xf32, #tpu.memory_space<hbm>>
        %dma_wait3A_62 = tpu.memref_slice %arg5[%multiple_of3A_57] : memref<16384xf32, #tpu.memory_space<hbm>> -> memref<4096xf32, #tpu.memory_space<hbm>>
        tpu.wait_dma2 semaphore(%run_scoped3A : memref<!tpu.dma_semaphore, #tpu.memory_space<semaphore_mem>>) src(%arg10 : memref<4096xf32, #tpu.memory_space<vmem>>) dst(%dma_wait3A_62 : memref<4096xf32, #tpu.memory_space<hbm>>)
        tpu.yield
      }) : () -> ()
      %mul3A_58 = arith.constant 16 : i32
      %mul3A_59 = arith.muli %add3A, %mul3A_58 : i32
      %multiple_of3A_60 = tpu.assume_multiple %mul3A_59, 8 : i32
      "tpu.region"() ({
        %run_scoped3A = tpu.sem_alloc : memref<!tpu.dma_semaphore, #tpu.memory_space<semaphore_mem>>
        %dma_start3A = tpu.memref_slice %arg6[%multiple_of3A_60] : memref<64xf32, #tpu.memory_space<hbm>> -> memref<16xf32, #tpu.memory_space<hbm>>
        %dma_start3A_61 = tpu.memref_slice %arg6[%multiple_of3A_60] : memref<64xf32, #tpu.memory_space<hbm>> -> memref<16xf32, #tpu.memory_space<hbm>>
        tpu.enqueue_dma source(%arg11 : memref<16xf32, #tpu.memory_space<vmem>>) target(%dma_start3A_61 : memref<16xf32, #tpu.memory_space<hbm>>) target_semaphore(%run_scoped3A : memref<!tpu.dma_semaphore, #tpu.memory_space<semaphore_mem>>)
        %dma_wait3A = tpu.memref_slice %arg6[%multiple_of3A_60] : memref<64xf32, #tpu.memory_space<hbm>> -> memref<16xf32, #tpu.memory_space<hbm>>
        %dma_wait3A_62 = tpu.memref_slice %arg6[%multiple_of3A_60] : memref<64xf32, #tpu.memory_space<hbm>> -> memref<16xf32, #tpu.memory_space<hbm>>
        tpu.wait_dma2 semaphore(%run_scoped3A : memref<!tpu.dma_semaphore, #tpu.memory_space<semaphore_mem>>) src(%arg11 : memref<16xf32, #tpu.memory_space<vmem>>) dst(%dma_wait3A_62 : memref<16xf32, #tpu.memory_space<hbm>>)
        tpu.yield
      }) : () -> ()
    } else {
    }
    return
  }
}

module attributes {stable_mosaic.version = 14 : i64} {
  func.func @_router_body(%arg0: i32, %arg1: memref<1024x1024xf32, #tpu.memory_space<vmem>>, %arg2: memref<1024x1026xf32, #tpu.memory_space<vmem>>, %arg3: memref<1x1024xf32, #tpu.memory_space<vmem>>, %arg4: memref<1024x1xf32, #tpu.memory_space<vmem>>, %arg5: memref<1x1xf32, #tpu.memory_space<vmem>>, %arg6: memref<1x2xf32, #tpu.memory_space<vmem>>, %arg7: memref<1024x1xf32, #tpu.memory_space<vmem>>, %arg8: memref<1024x2xf32, #tpu.memory_space<vmem>>) attributes {dimension_semantics = [#tpu.dimension_semantics<arbitrary>], iteration_bounds = array<i64: 16>, scalar_prefetch = 0 : i64, scratch_operands = 0 : i64, tpu.core_type = #tpu.core_type<tc>, window_params = [{transform_indices = @transform_0, window_bounds = array<i64: 1024, 1024>}, {pipeline_mode = #tpu.pipeline_mode<synchronous>, transform_indices = @transform_1, window_bounds = array<i64: 1024, 1026>}, {pipeline_mode = #tpu.pipeline_mode<synchronous>, transform_indices = @transform_2, window_bounds = array<i64: 1, 1024>}, {pipeline_mode = #tpu.pipeline_mode<synchronous>, transform_indices = @transform_3, window_bounds = array<i64: 1024, 1>}, {pipeline_mode = #tpu.pipeline_mode<synchronous>, transform_indices = @transform_4, window_bounds = array<i64: 1, 1>}, {pipeline_mode = #tpu.pipeline_mode<synchronous>, transform_indices = @transform_5, window_bounds = array<i64: 1, 2>}, {transform_indices = @transform_6, window_bounds = array<i64: 1024, 1>}, {transform_indices = @transform_7, window_bounds = array<i64: 1024, 2>}]} {
    %get3A = arith.constant 0 : index
    %get3A_0 = arith.constant 0 : index
    %get3A_1 = vector.load %arg1[%get3A, %get3A_0] : memref<1024x1024xf32, #tpu.memory_space<vmem>>, vector<1024x1024xf32>
    %get3A_2 = arith.constant 0 : index
    %get3A_3 = arith.constant 0 : index
    %get3A_4 = vector.load %arg2[%get3A_2, %get3A_3] : memref<1024x1026xf32, #tpu.memory_space<vmem>>, vector<1024x1026xf32>
    %dot_general3A = arith.constant dense<0.000000e+00> : vector<1024x1026xf32>
    %dot_general3A_5 = tpu.matmul %get3A_1, %get3A_4, %dot_general3A {dimension_numbers = #tpu.dot_dimension_numbers<[1], [0], [0], [1], [0, 0, 1, 1], [], []>, transpose_lhs_hint = false} : vector<1024x1024xf32>, vector<1024x1026xf32>, vector<1024x1026xf32> -> vector<1024x1026xf32>
    %slice3A = vector.extract_strided_slice %dot_general3A_5 {offsets = [0, 0], sizes = [1024, 1024], strides = [1, 1]} : vector<1024x1026xf32> to vector<1024x1024xf32>
    %get3A_6 = arith.constant 0 : index
    %get3A_7 = arith.constant 0 : index
    %get3A_8 = vector.load %arg3[%get3A_6, %get3A_7] : memref<1x1024xf32, #tpu.memory_space<vmem>>, vector<1x1024xf32>
    %add3A = vector.broadcast %get3A_8 : vector<1x1024xf32> to vector<1024x1024xf32>
    %add3A_9 = arith.addf %slice3A, %add3A : vector<1024x1024xf32>
    %max3A = arith.constant 0.000000e+00 : f32
    %max3A_10 = vector.broadcast %max3A : f32 to vector<1024x1024xf32>
    %max3A_11 = arith.maximumf %add3A_9, %max3A_10 : vector<1024x1024xf32>
    %slice3A_12 = vector.extract_strided_slice %dot_general3A_5 {offsets = [0, 1024], sizes = [1024, 2], strides = [1, 1]} : vector<1024x1026xf32> to vector<1024x2xf32>
    %get3A_13 = arith.constant 0 : index
    %get3A_14 = arith.constant 0 : index
    %get3A_15 = vector.load %arg6[%get3A_13, %get3A_14] : memref<1x2xf32, #tpu.memory_space<vmem>>, vector<1x2xf32>
    %add3A_16 = vector.broadcast %get3A_15 : vector<1x2xf32> to vector<1024x2xf32>
    %add3A_17 = arith.addf %slice3A_12, %add3A_16 : vector<1024x2xf32>
    %swap3A = arith.constant 0 : index
    %swap3A_18 = arith.constant 0 : index
    %swap3A_19 = vector.load %arg8[%swap3A, %swap3A_18] : memref<1024x2xf32, #tpu.memory_space<vmem>>, vector<1024x2xf32>
    tpu.vector_store %arg8[%swap3A, %swap3A_18], %add3A_17 {strides = array<i32>} : memref<1024x2xf32, #tpu.memory_space<vmem>>, vector<1024x2xf32>,
    %get3A_20 = arith.constant 0 : index
    %get3A_21 = arith.constant 0 : index
    %get3A_22 = vector.load %arg4[%get3A_20, %get3A_21] : memref<1024x1xf32, #tpu.memory_space<vmem>>, vector<1024x1xf32>
    %dot_general3A_23 = arith.constant dense<0.000000e+00> : vector<1024x1xf32>
    %dot_general3A_24 = tpu.matmul %max3A_11, %get3A_22, %dot_general3A_23 {dimension_numbers = #tpu.dot_dimension_numbers<[1], [0], [0], [1], [0, 0, 1, 1], [], []>, transpose_lhs_hint = false} : vector<1024x1024xf32>, vector<1024x1xf32>, vector<1024x1xf32> -> vector<1024x1xf32>
    %get3A_25 = arith.constant 0 : index
    %get3A_26 = arith.constant 0 : index
    %get3A_27 = vector.load %arg5[%get3A_25, %get3A_26] : memref<1x1xf32, #tpu.memory_space<vmem>>, vector<1x1xf32>
    %add3A_28 = vector.broadcast %get3A_27 : vector<1x1xf32> to vector<1024x1xf32>
    %add3A_29 = arith.addf %dot_general3A_24, %add3A_28 : vector<1024x1xf32>
    %swap3A_30 = arith.constant 0 : index
    %swap3A_31 = arith.constant 0 : index
    %swap3A_32 = vector.load %arg7[%swap3A_30, %swap3A_31] : memref<1024x1xf32, #tpu.memory_space<vmem>>, vector<1024x1xf32>
    tpu.vector_store %arg7[%swap3A_30, %swap3A_31], %add3A_29 {strides = array<i32>} : memref<1024x1xf32, #tpu.memory_space<vmem>>, vector<1024x1xf32>,
    return
  }
  func.func @transform_0(%arg0: i32) -> (i32, i32) {
    %c0_i32 = arith.constant 0 : i32
    %c0_i32_0 = arith.constant 0 : i32
    return %arg0, %c0_i32 : i32, i32
  }
  func.func @transform_1(%arg0: i32) -> (i32, i32) {
    %c0_i32 = arith.constant 0 : i32
    %c0_i32_0 = arith.constant 0 : i32
    %c0_i32_1 = arith.constant 0 : i32
    return %c0_i32, %c0_i32_0 : i32, i32
  }
  func.func @transform_2(%arg0: i32) -> (i32, i32) {
    %c0_i32 = arith.constant 0 : i32
    %c0_i32_0 = arith.constant 0 : i32
    %c0_i32_1 = arith.constant 0 : i32
    return %c0_i32, %c0_i32_0 : i32, i32
  }
  func.func @transform_3(%arg0: i32) -> (i32, i32) {
    %c0_i32 = arith.constant 0 : i32
    %c0_i32_0 = arith.constant 0 : i32
    %c0_i32_1 = arith.constant 0 : i32
    return %c0_i32, %c0_i32_0 : i32, i32
  }
  func.func @transform_4(%arg0: i32) -> (i32, i32) {
    %c0_i32 = arith.constant 0 : i32
    %c0_i32_0 = arith.constant 0 : i32
    %c0_i32_1 = arith.constant 0 : i32
    return %c0_i32, %c0_i32_0 : i32, i32
  }
  func.func @transform_5(%arg0: i32) -> (i32, i32) {
    %c0_i32 = arith.constant 0 : i32
    %c0_i32_0 = arith.constant 0 : i32
    %c0_i32_1 = arith.constant 0 : i32
    return %c0_i32, %c0_i32_0 : i32, i32
  }
  func.func @transform_6(%arg0: i32) -> (i32, i32) {
    %c0_i32 = arith.constant 0 : i32
    %c0_i32_0 = arith.constant 0 : i32
    return %arg0, %c0_i32 : i32, i32
  }
  func.func @transform_7(%arg0: i32) -> (i32, i32) {
    %c0_i32 = arith.constant 0 : i32
    %c0_i32_0 = arith.constant 0 : i32
    return %arg0, %c0_i32 : i32, i32
  }
}

module attributes {stable_mosaic.version = 14 : i64} {
  func.func @_thresh_body(%arg0: memref<4x4096xf32, #tpu.memory_space<vmem>>, %arg1: memref<4x32xi32, #tpu.memory_space<vmem>>) attributes {dimension_semantics = [], scalar_prefetch = 0 : i64, scratch_operands = 0 : i64, tpu.core_type = #tpu.core_type<tc>} {
    %get3A = arith.constant 0 : index
    %get3A_0 = arith.constant 0 : index
    %get3A_1 = vector.load %arg0[%get3A, %get3A_0] : memref<4x4096xf32, #tpu.memory_space<vmem>>, vector<4x4096xf32>
    %bitcast_convert_type3A = tpu.bitcast %get3A_1 : vector<4x4096xf32> -> vector<4x4096xi32>
    %lt3A = arith.constant 0 : i32
    %lt3A_2 = vector.broadcast %lt3A : i32 to vector<4x4096xi32>
    %lt3A_3 = arith.cmpi slt, %bitcast_convert_type3A, %lt3A_2 : vector<4x4096xi32>
    %xor3A = arith.constant 2147483647 : i32
    %xor3A_4 = vector.broadcast %xor3A : i32 to vector<4x4096xi32>
    %xor3A_5 = arith.xori %bitcast_convert_type3A, %xor3A_4 : vector<4x4096xi32>
    %select_n3A = arith.select %lt3A_3, %xor3A_5, %bitcast_convert_type3A : vector<4x4096xi1>, vector<4x4096xi32>
    %broadcast_in_dim3A = arith.constant 0 : i32
    %broadcast_in_dim3A_6 = vector.broadcast %broadcast_in_dim3A : i32 to vector<4x1xi32>
    %scan3A = arith.constant -2147483648 : i32
    %scan3A_7 = arith.constant 0 : i32
    %scan3A_8 = arith.constant 32 : i32
    %scan3A_9 = arith.addi %scan3A_7, %scan3A_8 : i32
    %scan3A_10 = arith.constant 1 : i32
    %scan3A_11 = scf.for %scan3A_27 = %scan3A_7 to %scan3A_9 step %scan3A_10 iter_args(%scan3A_28 = %broadcast_in_dim3A_6) -> (vector<4x1xi32>)  : i32 {
      %sub3A_29 = arith.constant 31 : i32
      %sub3A_30 = arith.subi %sub3A_29, %scan3A_27 : i32
      %shift_left3A = arith.constant 1 : i32
      %shift_left3A_31 = arith.shli %shift_left3A, %sub3A_30 : i32
      %or3A = vector.broadcast %shift_left3A_31 : i32 to vector<4x1xi32>
      %or3A_32 = arith.ori %scan3A_28, %or3A : vector<4x1xi32>
      %xor3A_33 = vector.broadcast %scan3A : i32 to vector<4x1xi32>
      %xor3A_34 = arith.xori %or3A_32, %xor3A_33 : vector<4x1xi32>
      %ge3A = vector.broadcast %xor3A_34 : vector<4x1xi32> to vector<4x4096xi32>
      %ge3A_35 = arith.cmpi sge, %select_n3A, %ge3A : vector<4x4096xi32>
      %convert_element_type3A_36 = arith.extui %ge3A_35 : vector<4x4096xi1> to vector<4x4096xi32>
      %reduce_sum3A_37 = arith.constant dense<0> : vector<4xi32>
      %reduce_sum3A_38 = vector.multi_reduction <add>, %convert_element_type3A_36, %reduce_sum3A_37 [1] : vector<4x4096xi32> to vector<4xi32>
      %broadcast_in_dim3A_39 = vector.shape_cast %reduce_sum3A_38 : vector<4xi32> to vector<4x1xi32>
      %ge3A_40 = arith.constant 256 : i32
      %ge3A_41 = vector.broadcast %ge3A_40 : i32 to vector<4x1xi32>
      %ge3A_42 = arith.cmpi sge, %broadcast_in_dim3A_39, %ge3A_41 : vector<4x1xi32>
      %select_n3A_43 = arith.select %ge3A_42, %or3A_32, %scan3A_28 : vector<4x1xi1>, vector<4x1xi32>
      scf.yield %select_n3A_43 : vector<4x1xi32>
    }
    %scan3A_12 = arith.constant 32 : i32
    %xor3A_13 = arith.constant -2147483648 : i32
    %xor3A_14 = vector.broadcast %xor3A_13 : i32 to vector<4x1xi32>
    %xor3A_15 = arith.xori %scan3A_11, %xor3A_14 : vector<4x1xi32>
    %gt3A = vector.broadcast %xor3A_15 : vector<4x1xi32> to vector<4x4096xi32>
    %gt3A_16 = arith.cmpi sgt, %select_n3A, %gt3A : vector<4x4096xi32>
    %convert_element_type3A = arith.extui %gt3A_16 : vector<4x4096xi1> to vector<4x4096xi32>
    %reduce_sum3A = arith.constant dense<0> : vector<4xi32>
    %reduce_sum3A_17 = vector.multi_reduction <add>, %convert_element_type3A, %reduce_sum3A [1] : vector<4x4096xi32> to vector<4xi32>
    %broadcast_in_dim3A_18 = vector.shape_cast %reduce_sum3A_17 : vector<4xi32> to vector<4x1xi32>
    %sub3A = arith.constant 256 : i32
    %sub3A_19 = vector.broadcast %sub3A : i32 to vector<4x1xi32>
    %sub3A_20 = arith.subi %sub3A_19, %broadcast_in_dim3A_18 : vector<4x1xi32>
    %broadcast_in_dim3A_21 = vector.shape_cast %xor3A_15 : vector<4x1xi32> to vector<4x1xi32>
    %broadcast_in_dim3A_22 = vector.broadcast %broadcast_in_dim3A_21 : vector<4x1xi32> to vector<4x16xi32>
    %broadcast_in_dim3A_23 = vector.shape_cast %sub3A_20 : vector<4x1xi32> to vector<4x1xi32>
    %broadcast_in_dim3A_24 = vector.broadcast %broadcast_in_dim3A_23 : vector<4x1xi32> to vector<4x16xi32>
    %concatenate3A = tpu.concatenate %broadcast_in_dim3A_22, %broadcast_in_dim3A_24 in 1 : vector<4x16xi32>, vector<4x16xi32> -> vector<4x32xi32>
    %swap3A = arith.constant 0 : index
    %swap3A_25 = arith.constant 0 : index
    %swap3A_26 = vector.load %arg1[%swap3A, %swap3A_25] : memref<4x32xi32, #tpu.memory_space<vmem>>, vector<4x32xi32>
    tpu.vector_store %arg1[%swap3A, %swap3A_25], %concatenate3A {strides = array<i32>} : memref<4x32xi32, #tpu.memory_space<vmem>>, vector<4x32xi32>,
    return
  }
}

</mosaic_0001>

<sc_bundles>
// kernel: kernel.5.cloned.1.call-start
scs
__scs_entry_jumppad:
0x0: {  	(pc) =	sbr.rel $0x88, $3  }
0x1: {  	(tag) =	ssettag $0x0;
	lr =	simm.s32 $0x1  }
0x2: {  	[smem:$0x3F9A] =	sst lr;
	_ =	strace $0xD0000000  }
0x3: {  	_ = 	snop  }
0x4: {  	_ = 	snop  }
0x5: {  	_ = 	snop  }
0x6: {  	_ = 	snop  }
0x7: {  	_ = 	snop  }
__scs_overlays_trampoline_lowered:
0x8: {  	[smem:$0x3FA9] =	sst s0  }
0x9: {  	[smem:$0x3FAA] =	sst s1  }
0xa: {  	[smem:$0x3FAB] =	sst s2  }
0xb: {  	[smem:$0x3FAC] =	sst s3  }
0xc: {  	[smem:$0x3FAD] =	sst s4  }
0xd: {  	[smem:$0x3FAE] =	sst s5  }
0xe: {  	[smem:$0x3FAF] =	sst s6  }
0xf: {  	[smem:$0x3FB0] =	sst s7  }
0x10: {  	[smem:$0x3FB1] =	sst s8  }
0x11: {  	[smem:$0x3FB2] =	sst s9;
	s0 =	simm.s32 @!p0 $0x0  }
0x12: {  	s1 =	sld [smem:$0x3F98];
	s0 =	simm.s32 @p0 $0x1  }
0x13: {  	[smem:$0x3FB3] =	sst s0;
	s0 =	simm.s32 @!p1 $0x0  }
0x14: {  	s2 =	sld [smem:$0x3F97];
	s0 =	simm.s32 @p1 $0x1  }
0x15: {  	[smem:$0x3FB4] =	sst s0;
	s0 =	simm.s32 @!p2 $0x0  }
0x16: {  	s3 =	sld [smem:$0x3FDB];
	s0 =	simm.s32 @p2 $0x1  }
0x17: {  	s4 =	simm.s32 $0x1BF5;
	[smem:$0x3FB6] =	sst s0  }
0x18: {  	s0 =	sld [smem:$0x3F99];
	_ =	swait.ge [sflag:s4], $0x0  }
0x19: {  	s7 =	sld [smem:$0x3F9A]  }
0x1a: {  	s8 =	sadd.s32 $0xFFFFE003, lr  }
0x1b: {  	s9 =	sadd.s32 $0xFFFFFEF7, lr;
	s5 =	simm.s32 $0xFFFFFFFF;
	p2 =	slt.u32 s8, $0xFFFFF086  }
0x1c: {  	p1 =	slt.u32 s9, $0xF7A;
	s5 =	simm.s32 @!p2 $0x0  }
0x1d: {  	s5 =	simm.s32 @p1 $0x1;
	p0 =	seq.s32 s7, s2  }
0x1e: {  	s7 =	smul.u32 @!p0 $0xF7A, s2;
	p2 =	seq.s32 @!p0 s5, $0x0  }
0x1f: {  	s9 =	smul.u32 $0xF7A, s1;
	s8 =	simm.s32 @!p0 $0x1BF5;
	p2 =	por !p2, p0  }
0x20: {  	[sflag:s8] =	ssyncset.s32 @!p0 $0xFFFFF086;
	s6 =	sadd.s32 @!p0 s3, s7;
	s7 =	simm.s32 @!p0 $0x108  }
0x21: {  	s3 =	sadd.s32 s3, s9;
	s6 =	sadd.s32 @!p0 $0x88, s6;
	s7 =	simm.s32 @p2 $0x1082  }
0x22: {  	[simem:s7], [sflag:s8] =	dma.local @!p0 [hbm:s6], $0xF7A  }
0x23: {  	s9 =	sor.u32 $0xD0000000, s2;
	s6 =	simm.s32 $0x108;
	_ =	swait.ge @!p0 [sflag:s8], $0x0  }
0x24: {  	s3 =	sadd.s32 $0x88, s3;
	s6 =	simm.s32 @!p1 $0x1082;
	[sflag:s4] =	ssyncset.s32 $0xFFFFF086  }
0x25: {  	[simem:s6], [sflag:s4] =	dma.local [hbm:s3], $0xF7A  }
0x26: {  	[smem:$0x3F9A] =	sst s1;
	(tag) =	ssettag s2;
	_ =	strace s9  }
0x27: {  	s1 =	sld [smem:$0x3FAA]  }
0x28: {  	s2 =	sld [smem:$0x3FAB]  }
0x29: {  	s4 =	sld [smem:$0x3FAD]  }
0x2a: {  	p0 =	seq.s32 s5, $0x0;
	s5 =	sld [smem:$0x3FAE]  }
0x2b: {  	s6 =	sld [smem:$0x3FAF]  }
0x2c: {  	s7 =	sld [smem:$0x3FB0]  }
0x2d: {  	s3 =	simm.s32 $0x108;
	s8 =	sld [smem:$0x3FB1]  }
0x2e: {  	s3 =	simm.s32 @!p0 $0x1082;
	s9 =	sld [smem:$0x3FB2]  }
0x2f: {  	lr =	sadd.s32 s0, s3;
	s0 =	sld [smem:$0x3FA9]  }
0x30: {  	s3 =	sld [smem:$0x3FAC]  }
0x31: {  	[smem:$0x3FB5] =	sst s10  }
0x32: {  	s10 =	sld [smem:$0x3FB3];
	_ =	sdelay $0x3  }
0x33: {  	p0 =	seq.s32 s10, $0x1;
	s10 =	sld [smem:$0x3FB5];
	_ =	sdelay $0x3  }
0x34: {  	[smem:$0x3FB5] =	sst s10  }
0x35: {  	s10 =	sld [smem:$0x3FB4];
	_ =	sdelay $0x3  }
0x36: {  	p1 =	seq.s32 s10, $0x1;
	s10 =	sld [smem:$0x3FB5];
	_ =	sdelay $0x3  }
0x37: {  	[smem:$0x3FB5] =	sst s10  }
0x38: {  	s10 =	sld [smem:$0x3FB6]  }
0x39: {  	_ = 	snop;
	(pc) =	sbr.ind lr, $3  }
0x3a: {  	_ = 	snop  }
0x3b: {  	_ = 	snop  }
0x3c: {  	p2 =	seq.s32 s10, $0x1;
	s10 =	sld [smem:$0x3FB5]  }
0x3d: {  	_ =	shalt  }
0x3e: {  	_ =	shalt  }
0x3f: {  	_ =	shalt  }
0x40: {  	_ =	shalt  }
0x41: {  	_ =	shalt  }
0x42: {  	_ =	shalt  }
0x43: {  	_ =	shalt  }
0x44: {  	_ =	shalt  }
0x45: {  	_ =	shalt  }
0x46: {  	_ =	shalt  }
0x47: {  	_ =	shalt  }
0x48: {  	_ =	shalt  }
0x49: {  	_ =	shalt  }
0x4a: {  	_ =	shalt  }
0x4b: {  	_ =	shalt  }
0x4c: {  	_ =	shalt  }
0x4d: {  	_ =	shalt  }
0x4e: {  	_ =	shalt  }
0x4f: {  	_ =	shalt  }
0x50: {  	_ =	shalt  }
0x51: {  	_ =	shalt  }
0x52: {  	_ =	shalt  }
0x53: {  	_ =	shalt  }
0x54: {  	_ =	shalt  }
0x55: {  	_ =	shalt  }
0x56: {  	_ =	shalt  }
0x57: {  	_ =	shalt  }
0x58: {  	_ =	shalt  }
0x59: {  	_ =	shalt  }
0x5a: {  	_ =	shalt  }
0x5b: {  	_ =	shalt  }
0x5c: {  	_ =	shalt  }
0x5d: {  	_ =	shalt  }
0x5e: {  	_ =	shalt  }
0x5f: {  	_ =	shalt  }
0x60: {  	_ =	shalt  }
0x61: {  	_ =	shalt  }
0x62: {  	_ =	shalt  }
0x63: {  	_ =	shalt  }
0x64: {  	_ =	shalt  }
0x65: {  	_ =	shalt  }
0x66: {  	_ =	shalt  }
0x67: {  	_ =	shalt  }
0x68: {  	_ =	shalt  }
0x69: {  	_ =	shalt  }
0x6a: {  	_ =	shalt  }
0x6b: {  	_ =	shalt  }
0x6c: {  	_ =	shalt  }
0x6d: {  	_ =	shalt  }
0x6e: {  	_ =	shalt  }
0x6f: {  	_ =	shalt  }
0x70: {  	_ =	shalt  }
0x71: {  	_ =	shalt  }
0x72: {  	_ =	shalt  }
0x73: {  	_ =	shalt  }
0x74: {  	_ =	shalt  }
0x75: {  	_ =	shalt  }
0x76: {  	_ =	shalt  }
0x77: {  	_ =	shalt  }
0x78: {  	_ =	shalt  }
0x79: {  	_ =	shalt  }
0x7a: {  	_ =	shalt  }
0x7b: {  	_ =	shalt  }
0x7c: {  	_ =	shalt  }
0x7d: {  	_ =	shalt  }
0x7e: {  	_ =	shalt  }
0x7f: {  	_ =	shalt  }
0x80: {  	_ =	shalt  }
0x81: {  	_ =	shalt  }
0x82: {  	_ =	shalt  }
0x83: {  	_ =	shalt  }
0x84: {  	_ =	shalt  }
0x85: {  	_ =	shalt  }
0x86: {  	_ =	shalt  }
0x87: {  	_ =	shalt  }
.Lfunc_end0:
.L_simem_size_0:
called_computation_lowered:
.L_overlay_start_0:
0x88: {  	s2 =	sld [smem:$0x3FD9]  }
0x89: {  	s3 =	sld [smem:$0x3FFE];
	_ =	sdelay $0x1  }
0x8a: {  	s1 =	srdreg.scid  }
0x8b: {  	s0 =	sand.u32 $0x1, s1  }
0x8c: {  	s14 =	sshll.u32 s0, $0xA;
	s2 =	sadd.s32 s3, s2  }
0x8d: {  	s2 =	sadd.s32 s2, s14  }
0x8e: {  	[smem:$0x3FC1] =	sst s2  }
0x8f: {  	_ = 	snop  }
0x90: {  	s2 =	sld [smem:$0x3FD0];
	_ =	sdelay $0x2  }
0x91: {  	s15 =	simm.s32 $0xA;
	s4 =	simm.s32 $0x10  }
0x92: {  	[smem:s4], [sflag:s15] =	dma.local [hbm:s2], $0x1  }
0x93: {  	_ =	swait.eq [sflag:s15], $0x1  }
0x94: {  	[sflag:s15] =	ssyncset.done $0x0  }
0x95: {  	s16 =	sld [smem:$0x10];
	[sflag:s15] =	ssyncadd.s32 $0xFFFFFFFF  }
0x96: {  	s17 =	sld [smem:$0x12];
	(tm) =	ssettm $0x1  }
0x97: {  	s18 =	sld [smem:$0x3FFB];
	_ =	sdelay $0x3  }
0x98: {  	_ =	strace s18  }
0x99: {  	s4 =	sld [smem:$0x3FFC];
	_ =	sdelay $0x3  }
0x9a: {  	_ =	strace s4  }
0x9b: {  	s4 =	sld [smem:$0x3FFD];
	_ =	sdelay $0x3  }
0x9c: {  	_ =	strace s4  }
0x9d: {  	_ =	strace $0x8FFFFFFF  }
0x9e: {  	s19 =	sld [smem:$0x3FDB];
	_ =	sdelay $0x1  }
0x9f: {  	s5 =	simm.s32 $_scs_section_size  }
0xa0: {  	s6 =	simm.s32 $_size__tile_overlayer_lowered;
	s7 =	simm.s32 $_tile_overlayer_lowered  }
0xa1: {  	s22 =	simm.s32 $0x1BFF;
	s21 =	sshll.u32 s7, $0x1;
	s4 =	sadd.s32 s5, s19  }
0xa2: {  	s8 =	simm.s32 $0x0;
	s20 =	sshll.u32 s6, $0x1;
	s6 =	sadd.s32 s21, s4  }
0xa3: {  	[timem:s8], [sflag:s22] =	dma.local [hbm:s6], s20  }
0xa4: {  	_ =	swait.ge [sflag:s22], s20  }
0xa5: {  	s5 =	ssub.s32 $0x0, s20;
	[sflag:s22] =	ssyncset.done $0x0  }
0xa6: {  	[sflag:s22] =	ssyncadd.s32 s5;
	_ =	sdelay $0x1  }
0xa7: {  	s23 =	simm.s32 $0x1B8B  }
0xa8: {  	_ =	swait.ge [sflag:s23], $0x1  }
0xa9: {  	[sflag:s23] =	ssyncset.done $0x0  }
0xaa: {  	s25 =	simm.s32 $0x1B8E;
	s24 =	sld [smem:$0x3FFE];
	[sflag:s23] =	ssyncadd.s32 $0xFFFFFFFF  }
0xab: {  	s26 =	simm.s32 $execute0_lowered;
	[smem:$0x3FD2] =	sst s25  }
0xac: {  	s6 =	sshll.u32 s26, $0x1;
	_ =	strace $0x80000046;
	[dreg:$0x1] =	wrdreg $0xFFFFFFFF  }
0xad: {  	s28 =	simm.s32 $_size_execute0_lowered;
	s4 =	sadd.s32 s4, s6;
	[dreg:$0x0] =	wrdreg $0x0  }
0xae: {  	s6 =	sshll.u32 s28, $0x1;
	[dreg:$0x2] =	wrdreg s4  }
0xaf: {  	[dreg:$0x3] =	wrdreg s6  }
0xb0: {  	[dreg:$0x4] =	wrdreg $0xC0  }
0xb1: {  	_ =	task [dreg:s8], $0x5FFFF  }
0xb2: {  	[dreg:$0x1] =	wrdreg $0xFFFFFFFF  }
0xb3: {  	[dreg:$0x0] =	wrdreg $0x60  }
0xb4: {  	[dreg:$0x2] =	wrdreg s17  }
0xb5: {  	[dreg:$0x3] =	wrdreg s24  }
0xb6: {  	[dreg:$0x4] =	wrdreg s16  }
0xb7: {  	[dreg:$0x5] =	wrdreg $0x9  }
0xb8: {  	_ =	task.clear_ibuf [dreg:s8], $0x6FFFF;
	_ =	strace $0x90000046  }
0xb9: {  	s29 =	simm.s32 $0x9;
	_ =	strace $0x80000048  }
0xba: {  	_ =	swait.ge [sflag:s29], $0x1  }
0xbb: {  	[sflag:s29] =	ssyncadd.s32 $0xFFFFFFFF  }
0xbc: {  	_ =	strace $0x90000048  }
0xbd: {  	_ =	sfence  }
0xbe: {  	s30 =	sld [smem:$0x0];
	_ =	sdelay $0x2  }
0xbf: {  	s31 =	sshll.u32 s1, $0xD;
	s1 =	sshrl.u32 s1, $0x2  }
0xc0: {  	s3 =	sand.u32 $0x4000, s31;
	s1 =	sadd.s32 s1, s30  }
0xc1: {  	s0 =	sor.u32 s3, s0;
	s1 =	sshll.u32 s1, $0x11  }
0xc2: {  	s0 =	sor.u32 s1, s0  }
0xc3: {  	s0 =	sadd.s32 $0x8F2B, s0  }
0xc4: {  	[sflag:s0] =	ssyncadd.remote.s32 $0x1  }
0xc5: {  	_ =	sfence.sel $0xFFFF  }
0xc6: {  	[dreg:$0x0] =	wrdreg $0xFFFFFFFF;
	(pc) =	sbr.abs _section_cstart, $3  }
0xc7: {  	[dreg:$0x1] =	wrdreg $0xFFFFFFFF  }
0xc8: {  	_ =	task.clear_ibuf [dreg:s8], $0x2FFFF;
	_ =	strace $0x9FFFFFFF  }
0xc9: {  	(tm) =	ssettm $0x7FFFFFFF  }
tec
execute0_lowered:
.L_overlay_start_1:
0x0: {  	(tag) =	ssettag $0x1  }
0x1: {  	s1 =	stileid.u32  }
0x2: {  	p0 =	sgt.u32 s1, $0x1  }
.Ltmp0:
0x3: {  	s7 =	rddreg [dreg:$0x0];
	(pc) =	sbr.rel @p0 .LBB2_5-.Ltmp0, $4  }
0x4: {  	s3 =	rddreg [dreg:$0x1]  }
0x5: {  	s4 =	rddreg [dreg:$0x2];
	s2 =	simm.s32 $0x0  }
0x6: {  	[smem:$0x7FF] =	sst s2  }
0x7: {  	s0 =	rddreg [dreg:$0x3];
	_ =	strace $0x80000047  }
0x8: {  	v1 =	vlaneseq.u32  }
0x9: {  	s5 =	srdreg.scid;
	v0 =	vimm.s32 $0x0;
	vm0 =	vcmask $0x300;
	v2 =	vimm.f32 $0.0e+00  }
0xa: {  	s6 =	sshll.u32 s1, $0x1;
	vm1 =	vcmask $0xB08;
	vm2 =	vcmask $0x3F04;
	s5 =	sand.u32 $0x1, s5;
	v1 =	vshrl.u32 v1, $0x1  }
0xb: {  	s13 =	simm.s32 $0x4080;
	v3 =	vsel vm0, $0x7, v0;
	vm0 =	vmor vm0, vm1;
	vm1 =	vcmask $0x1310;
	s6 =	sor.u32 s5, s6  }
0xc: {  	s14 =	simm.s32 $0x0;
	v4 =	vor.u32 $0x8, v1;
	v5 =	vor.u32 $0x10, v1;
	v6 =	vor.u32 $0x20, v1;
	s12 =	ssub.s32 $0x2, s5;
	s8 =	sshll.u32 s6, $0xA  }
0xd: {  	v7 =	vor.u32 $0x30, v1;
	vm0 =	vmor vm0, vm1;
	vm1 =	vcmask $0x1B18;
	s9 =	sshll.u32 s6, $0x9;
	s10 =	sshll.u32 s6, $0x1;
	s29 =	sshll.u32 s6, $0x2  }
0xe: {  	v8 =	vor.u32 $0x40, v1;
	s30 =	sshrl.u32 s12, $0x1;
	vm0 =	vmor vm0, vm1;
	vm1 =	vcmask $0x2320;
	s8 =	sadd.s32 s8, s3;
	s11 =	sadd.s32 s9, s3  }
0xf: {  	v9 =	vor.u32 $0x50, v1;
	s10 =	sadd.s32 s10, s3;
	s4 =	sadd.s32 s4, s29;
	s31 =	ssub.s32 s12, s30;
	vm0 =	vmor vm0, vm1;
	vm1 =	vcmask $0x2B28  }
0x10: {  	v10 =	vor.u32 $0x60, v1;
	s7 =	sadd.s32 s7, s9;
	s9 =	simm.s32 $0x1;
	s12 =	simm.s32 $0x3080;
	vm0 =	vmor vm0, vm1;
	vm1 =	vcmask $0x3330  }
0x11: {  	v11 =	vor.u32 $0x70, v1;
	s3 =	sadd.s32 $0xC00, s8;
	s5 =	sadd.s32 $0x1E00, s11;
	s6 =	sadd.s32 $0x1C00, s10;
	vm0 =	vmor vm0, vm1;
	vm1 =	vcmask $0x3B38  }
0x12: {  	v12 =	vor.u32 $0x78, v1;
	s8 =	smax.u32 s31, $0x1;
	s10 =	simm.s32 $0x1000;
	s11 =	simm.s32 $0x3000;
	vm0 =	vmor vm0, vm1;
	vm1 =	vcmask $0x704  }
.LBB2_2:
0x13: {  	[tilespmem:s2], [sflag:$0x1] =	stream.linear.gather [hbm4b:s7+s2], $0x1000, $0x38;
	[tilespmem:$0x4100] =	vst v63  }
0x14: {  	_ =	swait.ge [sflag:s9], $0x1000  }
0x15: {  	[sflag:s9] =	ssyncset.done $0x0  }
0x16: {  	[sflag:s9] =	ssyncadd.s32 $0xFFFFF000  }
0x17: {  	[tilespmem:s10], [sflag:$0x1] =	stream.linear.gather [hbm4b:s3+s2], $0x2000, $0x38;
	[tilespmem:$0x4100] =	vst v63  }
0x18: {  	_ =	swait.ge [sflag:s9], $0x2000  }
0x19: {  	[sflag:s9] =	ssyncset.done $0x0  }
0x1a: {  	[sflag:s9] =	ssyncadd.s32 $0xFFFFE000  }
0x1b: {  	[tilespmem:s11], [sflag:$0x1] =	stream.linear.gather [hbm4b:s4+s2], $0x20, $0x38;
	[tilespmem:$0x4100] =	vst v63  }
0x1c: {  	_ =	swait.ge [sflag:s9], $0x20  }
0x1d: {  	[sflag:s9] =	ssyncset.done $0x0  }
0x1e: {  	s17 =	simm.s32 $0x40;
	[sflag:s9] =	ssyncadd.s32 $0xFFFFFFE0  }
0x1f: {  	v14 =	vld [tilespmem:s17+$0xFFFFFFC0];
	_ =	sdelay $0x1  }
0x20: {  	v13 =	vld [tilespmem:$0x3000];
	_ =	sdelay $0x2  }
0x21: {  	vm3 =	vlt.s32 v14, $0x0;
	v15 =	vxor.u32 $0x7FFFFFFF, v14  }
0x22: {  	v15 =	vsel vm3, v15, v14  }
0x23: {  	vm3 =	veq.s32 v15, v13  }
0x24: {  	v14 =	vsel vm3, $0x1, v0  }
0x25: {  	(xrf0) =	vadd.scan.msk.s32 $0xffff, v14;
	_ =	sdelay $0x2  }
0x26: {  	v14 =	vld [tilespmem:$0x3010];
	_ =	sdelay $0x2  }
0x27: {  	v16, _, _ =	vpop (xrf0)  }
0x28: {  	v16 =	vadd.s32 v0, v16  }
0x29: {  	vm4 =	vle.s32 v16, v14  }
0x2a: {  	vm5 =	vgt.s32 v15, v13;
	vm4 =	vmand vm3, vm4  }
0x2b: {  	vm4 =	vmor vm5, vm4  }
0x2c: {  	s15 =	simm.s32 $0x30C0;
	v15 =	vsel vm4, $0x3B800000, v2  }
0x2d: {  	[tilespmem:s15+$0xFFFFFFC0] =	vst v15  }
0x2e: {  	v15 =	vld [tilespmem:s17+$0xFFFFFFD0];
	_ =	sdelay $0x4  }
0x2f: {  	vm4 =	vlt.s32 v15, $0x0;
	v16 =	vxor.u32 $0x7FFFFFFF, v15  }
0x30: {  	v17 =	vsel vm4, v16, v15  }
0x31: {  	s16 =	simm.s32 $0x0;
	vm4 =	veq.s32 v17, v13  }
0x32: {  	v16 =	vmov s16;
	v15 =	vsel vm4, $0x1, v0  }
0x33: {  	(xrf0) =	vadd.scan.msk.s32 $0xffff, v15;
	v15 =	vshrl.u32 v16, $0x7  }
0x34: {  	v15 =	vshll.u32 v15, v3  }
0x35: {  	v15 =	vbroadcast v15, $0x0;
	_ =	sdelay $0x1  }
0x36: {  	v16 =	vmpcnt.ones.xlane vm3  }
0x37: {  	v18 =	vor.u32 v4, v15  }
0x38: {  	v19 =	vadd.s32 v0, v16;
	v20 =	vor.u32 v1, v15;
	v15, _, _ =	vpop (xrf0)  }
0x39: {  	v16 =	vadd.s32 v19, v15  }
0x3a: {  	s16 =	simm.s32 $0x1080;
	vm3 =	vle.s32 v16, v14  }
0x3b: {  	vm5 =	vgt.s32 v17, v13;
	v15 =	vld [tilespmem:s16+$0xFFFFFF90];
	vm3 =	vmand vm4, vm3  }
0x3c: {  	v17 =	vld.idx.msk [tilespmem:v18+s12+$0x0], $0xffff;
	vm3 =	vmor vm5, vm3  }
0x3d: {  	v18 =	vld.idx.msk [tilespmem:v20+s12+$0x0], $0xffff;
	v20 =	vsel vm3, $0x3B800000, v2  }
0x3e: {  	v16 =	vld [tilespmem:s16+$0xFFFFFF80];
	[tilespmem:s15+$0xFFFFFFD0] =	vst v20  }
0x3f: {  	v20 =	vld [tilespmem:s17+$0xFFFFFFE0];
	_ =	sdelay $0x4  }
0x40: {  	vm3 =	vlt.s32 v20, $0x0;
	v21 =	vxor.u32 $0x7FFFFFFF, v20  }
0x41: {  	v21 =	vsel vm3, v21, v20  }
0x42: {  	vm3 =	veq.s32 v21, v13  }
0x43: {  	v20 =	vsel vm3, $0x1, v0  }
0x44: {  	(xrf0) =	vadd.scan.msk.s32 $0xffff, v20  }
0x45: {  	s18 =	simm.s32 $0x10  }
0x46: {  	v20 =	vmov s18  }
0x47: {  	s26 =	simm.s32 $0x18;
	v20 =	vshrl.u32 v20, $0x7  }
0x48: {  	v23 =	vor.u32 s26, v1;
	v22 =	vmpcnt.ones.xlane vm4;
	v20 =	vshll.u32 v20, v3  }
0x49: {  	v20 =	vbroadcast v20, $0x0  }
0x4a: {  	v24 =	vadd.s32 v19, v22;
	v19, _, _ =	vpop (xrf0)  }
0x4b: {  	v46 =	vor.u32 v5, v20;
	v20 =	vadd.s32 v24, v19  }
0x4c: {  	s28 =	simm.s32 $0x20;
	vm4 =	vle.s32 v20, v14  }
0x4d: {  	vm5 =	vgt.s32 v21, v13;
	v21 =	vld.idx.msk [tilespmem:v23+s12+$0x0], $0xffff;
	s18 =	sor.u32 $0x30, s28;
	vm4 =	vmand vm3, vm4  }
0x4e: {  	v19 =	vld [tilespmem:s18+$0x1000];
	vm4 =	vmor vm5, vm4  }
0x4f: {  	v20 =	vld [tilespmem:s16+$0xFFFFFFA0];
	v47 =	vsel vm4, $0x3B800000, v2  }
0x50: {  	v22 =	vld.idx.msk [tilespmem:v46+s12+$0x0], $0xffff;
	[tilespmem:s15+$0xFFFFFFE0] =	vst v47  }
0x51: {  	v23 =	vld [tilespmem:s17+$0xFFFFFFF0];
	_ =	sdelay $0x4  }
0x52: {  	vm4 =	vlt.s32 v23, $0x0;
	v25 =	vxor.u32 $0x7FFFFFFF, v23  }
0x53: {  	v23 =	vsel vm4, v25, v23  }
0x54: {  	vm4 =	veq.s32 v23, v13  }
0x55: {  	v48 =	vsel vm4, $0x1, v0  }
0x56: {  	s29 =	simm.s32 $0x20;
	(xrf0) =	vadd.scan.msk.s32 $0xffff, v48  }
0x57: {  	v49 =	vmov s29  }
0x58: {  	v25 =	vshrl.u32 v49, $0x7  }
0x59: {  	v25 =	vshll.u32 v25, v3  }
0x5a: {  	s30 =	simm.s32 $0x28;
	v26 =	vmpcnt.ones.xlane vm3;
	v25 =	vbroadcast v25, $0x0  }
0x5b: {  	v27 =	vor.u32 s30, v1  }
0x5c: {  	v24 =	vadd.s32 v24, v26;
	v25 =	vor.u32 v6, v25;
	v50, _, _ =	vpop (xrf0)  }
0x5d: {  	s31 =	simm.s32 $0x40;
	v26 =	vadd.s32 v24, v50  }
0x5e: {  	s18 =	sor.u32 $0x50, s31;
	vm3 =	vle.s32 v26, v14  }
0x5f: {  	v28 =	vld [tilespmem:s18+$0x1000];
	vm5 =	vgt.s32 v23, v13;
	vm3 =	vmand vm4, vm3  }
0x60: {  	v51 =	vld.idx.msk [tilespmem:v27+s12+$0x0], $0xffff;
	vm3 =	vmor vm5, vm3  }
0x61: {  	v25 =	vld.idx.msk [tilespmem:v25+s12+$0x0], $0xffff;
	v52 =	vsel vm3, $0x3B800000, v2  }
0x62: {  	v26 =	vld [tilespmem:s16+$0xFFFFFFC0];
	[tilespmem:s15+$0xFFFFFFF0] =	vst v52  }
0x63: {  	v27 =	vld [tilespmem:s17+$0x0];
	_ =	sdelay $0x4  }
0x64: {  	vm3 =	vlt.s32 v27, $0x0;
	v29 =	vxor.u32 $0x7FFFFFFF, v27  }
0x65: {  	v27 =	vsel vm3, v29, v27  }
0x66: {  	vm3 =	veq.s32 v27, v13  }
0x67: {  	v53 =	vsel vm3, $0x1, v0  }
0x68: {  	(xrf0) =	vadd.scan.msk.s32 $0xffff, v53  }
0x69: {  	s19 =	simm.s32 $0x30  }
0x6a: {  	v54 =	vmov s19  }
0x6b: {  	v29 =	vshrl.u32 v54, $0x7  }
0x6c: {  	v30 =	vmpcnt.ones.xlane vm4;
	v29 =	vshll.u32 v29, v3  }
0x6d: {  	s20 =	simm.s32 $0x38;
	v29 =	vbroadcast v29, $0x0  }
0x6e: {  	v31 =	vor.u32 s20, v1;
	v24 =	vadd.s32 v24, v30;
	v55, _, _ =	vpop (xrf0)  }
0x6f: {  	s21 =	simm.s32 $0x60;
	v29 =	vor.u32 v7, v29;
	v30 =	vadd.s32 v24, v55  }
0x70: {  	s18 =	sor.u32 $0x70, s21;
	vm4 =	vle.s32 v30, v14  }
0x71: {  	v32 =	vld [tilespmem:s18+$0x1000];
	vm5 =	vgt.s32 v27, v13;
	vm4 =	vmand vm3, vm4  }
0x72: {  	v56 =	vld [tilespmem:s16+$0xFFFFFFE0];
	vm4 =	vmor vm5, vm4  }
0x73: {  	v57 =	vld.idx.msk [tilespmem:v31+s12+$0x0], $0xffff;
	v58 =	vsel vm4, $0x3B800000, v2  }
0x74: {  	v29 =	vld.idx.msk [tilespmem:v29+s12+$0x0], $0xffff;
	[tilespmem:s15+$0x0] =	vst v58  }
0x75: {  	v31 =	vld [tilespmem:s17+$0x10];
	_ =	sdelay $0x4  }
0x76: {  	vm4 =	vlt.s32 v31, $0x0;
	v33 =	vxor.u32 $0x7FFFFFFF, v31  }
0x77: {  	v31 =	vsel vm4, v33, v31  }
0x78: {  	vm5 =	veq.s32 v31, v13  }
0x79: {  	v34 =	vsel vm5, $0x1, v0  }
0x7a: {  	(xrf0) =	vadd.scan.msk.s32 $0xffff, v34  }
0x7b: {  	s22 =	simm.s32 $0x40  }
0x7c: {  	v59 =	vmov s22  }
0x7d: {  	s23 =	simm.s32 $0x48;
	v33 =	vshrl.u32 v59, $0x7  }
0x7e: {  	v35 =	vor.u32 s23, v1;
	v60 =	vmpcnt.ones.xlane vm3;
	v33 =	vshll.u32 v33, v3  }
0x7f: {  	v33 =	vbroadcast v33, $0x0  }
0x80: {  	v24 =	vadd.s32 v24, v60;
	v61, _, _ =	vpop (xrf0)  }
0x81: {  	v33 =	vor.u32 v8, v33;
	v34 =	vadd.s32 v24, v61  }
0x82: {  	vm3 =	vle.s32 v34, v14  }
0x83: {  	v62 =	vld.idx.msk [tilespmem:v35+s12+$0x0], $0xffff;
	vm4 =	vgt.s32 v31, v13;
	vm3 =	vmand vm5, vm3  }
0x84: {  	v63 =	vld [tilespmem:s16+$0x0];
	vm3 =	vmor vm4, vm3  }
0x85: {  	v44 =	vld [tilespmem:s16+$0x10];
	v36 =	vsel vm3, $0x3B800000, v2  }
0x86: {  	v33 =	vld.idx.msk [tilespmem:v33+s12+$0x0], $0xffff;
	[tilespmem:s15+$0x10] =	vst v36  }
0x87: {  	v36 =	vld [tilespmem:s17+$0x20];
	_ =	sdelay $0x4  }
0x88: {  	vm3 =	vlt.s32 v36, $0x0;
	v37 =	vxor.u32 $0x7FFFFFFF, v36  }
0x89: {  	v36 =	vsel vm3, v37, v36  }
0x8a: {  	vm4 =	veq.s32 v36, v13  }
0x8b: {  	v38 =	vsel vm4, $0x1, v0  }
0x8c: {  	(xrf0) =	vadd.scan.msk.s32 $0xffff, v38  }
0x8d: {  	s24 =	simm.s32 $0x50  }
0x8e: {  	v45 =	vmov s24  }
0x8f: {  	s25 =	simm.s32 $0x58;
	v37 =	vshrl.u32 v45, $0x7  }
0x90: {  	v39 =	vor.u32 s25, v1;
	v46 =	vmpcnt.ones.xlane vm5;
	v37 =	vshll.u32 v37, v3  }
0x91: {  	v37 =	vbroadcast v37, $0x0  }
0x92: {  	v24 =	vadd.s32 v24, v46;
	v47, _, _ =	vpop (xrf0)  }
0x93: {  	v37 =	vor.u32 v9, v37;
	v38 =	vadd.s32 v24, v47  }
0x94: {  	vm3 =	vle.s32 v38, v14  }
0x95: {  	s26 =	simm.s32 $0xA0;
	v48 =	vld.idx.msk [tilespmem:v39+s12+$0x0], $0xffff;
	vm5 =	vgt.s32 v36, v13;
	vm3 =	vmand vm4, vm3  }
0x96: {  	s18 =	sor.u32 $0x30, s26;
	v49 =	vld [tilespmem:s16+$0x20];
	vm3 =	vmor vm5, vm3  }
0x97: {  	v50 =	vld [tilespmem:s18+$0x1000];
	v40 =	vsel vm3, $0x3B800000, v2  }
0x98: {  	v16 =	vmul.f32 v16, v18;
	v37 =	vld.idx.msk [tilespmem:v37+s12+$0x0], $0xffff;
	[tilespmem:s15+$0x20] =	vst v40  }
0x99: {  	v18 =	vld [tilespmem:s17+$0x30]  }
0x9a: {  	v15 =	vmul.f32 v15, v17;
	v16 =	vadd.f32 v16, v2;
	_ =	sdelay $0x1  }
0x9b: {  	v15 =	vadd.f32 v15, v16;
	v16 =	vmul.f32 v20, v22  }
0x9c: {  	v17 =	vmul.f32 v19, v21  }
0x9d: {  	v15 =	vadd.f32 v16, v15;
	vm3 =	vlt.s32 v18, $0x0;
	v16 =	vxor.u32 $0x7FFFFFFF, v18  }
0x9e: {  	s28 =	simm.s32 $0x60;
	v16 =	vsel vm3, v16, v18  }
0x9f: {  	v15 =	vadd.f32 v17, v15;
	v17 =	vmov s28;
	vm3 =	veq.s32 v16, v13  }
0xa0: {  	v17 =	vshrl.u32 v17, $0x7;
	v19 =	vsel vm3, $0x1, v0  }
0xa1: {  	v17 =	vshll.u32 v17, v3;
	v18 =	vmul.f32 v26, v25;
	(xrf0) =	vadd.scan.msk.s32 $0xffff, v19  }
0xa2: {  	v17 =	vbroadcast v17, $0x0;
	s18 =	simm.s32 $0x70  }
0xa3: {  	v20 =	vmov s18;
	v15 =	vadd.f32 v18, v15;
	v19 =	vmul.f32 v28, v51  }
0xa4: {  	v17 =	vor.u32 v10, v17;
	v20 =	vshrl.u32 v20, $0x7  }
0xa5: {  	s29 =	simm.s32 $0x68;
	v18 =	vmul.f32 v56, v29;
	v15 =	vadd.f32 v19, v15;
	v19 =	vmpcnt.ones.xlane vm4  }
0xa6: {  	v52 =	vor.u32 s29, v1;
	v51 =	vmul.f32 v32, v57  }
0xa7: {  	v15 =	vadd.f32 v18, v15;
	v19 =	vadd.s32 v24, v19;
	v18 =	vshll.u32 v20, v3;
	v20, _, _ =	vpop (xrf0)  }
0xa8: {  	v18 =	vbroadcast v18, $0x0;
	v20 =	vadd.s32 v19, v20  }
0xa9: {  	v53 =	vmul.f32 v63, v33;
	v15 =	vadd.f32 v51, v15;
	vm4 =	vle.s32 v20, v14  }
0xaa: {  	v17 =	vld.idx.msk [tilespmem:v17+s12+$0x0], $0xffff;
	vm5 =	vgt.s32 v16, v13;
	v16 =	vor.u32 v11, v18;
	vm4 =	vmand vm3, vm4  }
0xab: {  	s30 =	simm.s32 $0xC0;
	v54 =	vmul.f32 v44, v62;
	v55 =	vld.idx.msk [tilespmem:v52+s12+$0x0], $0xffff;
	v15 =	vadd.f32 v53, v15;
	vm4 =	vmor vm5, vm4  }
0xac: {  	s17 =	sor.u32 $0x50, s30;
	v18 =	vor.u32 v12, v18;
	v20 =	vld [tilespmem:s16+$0x40];
	v57 =	vsel vm4, $0x3B800000, v2  }
0xad: {  	v58 =	vmul.f32 v49, v37;
	v56 =	vld [tilespmem:s17+$0x1000];
	s17 =	simm.s32 $0xC0;
	v15 =	vadd.f32 v54, v15;
	[tilespmem:s15+$0x30] =	vst v57  }
0xae: {  	v59 =	vld [tilespmem:s17+$0xFFFFFFC0]  }
0xaf: {  	v60 =	vmul.f32 v50, v48;
	v15 =	vadd.f32 v58, v15;
	v16 =	vld.idx.msk [tilespmem:v16+s12+$0x0], $0xffff  }
0xb0: {  	s19 =	simm.s32 $0xE0;
	v61 =	vld [tilespmem:s16+$0x60]  }
0xb1: {  	s31 =	sor.u32 $0x70, s19;
	v17 =	vmul.f32 v20, v17;
	v20 =	vld.idx.msk [tilespmem:v18+s12+$0x0], $0xffff;
	v15 =	vadd.f32 v60, v15  }
0xb2: {  	v62 =	vld [tilespmem:s31+$0x1000]  }
0xb3: {  	v15 =	vadd.f32 v17, v15;
	v17 =	vmul.f32 v56, v55  }
0xb4: {  	v63 =	vmpcnt.ones.xlane vm3;
	vm3 =	vlt.s32 v59, $0x0;
	v18 =	vxor.u32 $0x7FFFFFFF, v59  }
0xb5: {  	v15 =	vadd.f32 v17, v15;
	v16 =	vmul.f32 v61, v16;
	v18 =	vsel vm3, v18, v59  }
0xb6: {  	v17 =	vadd.s32 v19, v63;
	vm3 =	veq.s32 v18, v13  }
0xb7: {  	s20 =	simm.s32 $0x8;
	s15 =	simm.s32 $0x1180;
	s16 =	simm.s32 $0x3140;
	v15 =	vadd.f32 v16, v15;
	v16 =	vmul.f32 v62, v20;
	v19 =	vsel vm3, $0x1, v0  }
.LBB2_3:
0xb8: {  	s20 =	sadd.s32 $0x8, s20;
	v20 =	vmpcnt.ones.xlane vm3;
	(xrf0) =	vadd.scan.msk.s32 $0xffff, v19;
	s19 =	sadd.s32 $0x100, s19;
	s18 =	sadd.s32 $0x80, s18  }
0xb9: {  	p0 =	slt.u32 s20, $0xF8;
	v15 =	vadd.f32 v16, v15;
	_ =	sdelay $0x4  }
0xba: {  	v16, _, _ =	vpop (xrf0)  }
0xbb: {  	v16 =	vadd.s32 v17, v16  }
0xbc: {  	vm4 =	vle.s32 v16, v14  }
0xbd: {  	vm5 =	vgt.s32 v18, v13;
	vm3 =	vmand vm3, vm4  }
0xbe: {  	vm3 =	vmor vm5, vm3  }
0xbf: {  	v16 =	vsel vm3, $0x3B800000, v2  }
0xc0: {  	[tilespmem:s16+$0xFFFFFFC0] =	vst v16  }
0xc1: {  	v16 =	vld [tilespmem:s17+$0xFFFFFFD0];
	_ =	sdelay $0x4  }
0xc2: {  	vm3 =	vlt.s32 v16, $0x0;
	v18 =	vxor.u32 $0x7FFFFFFF, v16  }
0xc3: {  	v16 =	vsel vm3, v18, v16  }
0xc4: {  	vm3 =	veq.s32 v16, v13  }
0xc5: {  	s21 =	sadd.s32 $0xFFFFFF90, s18;
	v18 =	vsel vm3, $0x1, v0;
	v19 =	vmpcnt.ones.xlane vm3  }
0xc6: {  	v21 =	vmov s21;
	(xrf0) =	vadd.scan.msk.s32 $0xffff, v18  }
0xc7: {  	v18 =	vshrl.u32 v21, $0x7  }
0xc8: {  	v18 =	vshll.u32 v18, v3  }
0xc9: {  	v18 =	vbroadcast v18, $0x0;
	_ =	sdelay $0x1  }
0xca: {  	v21 =	vor.u32 v4, v18  }
0xcb: {  	v17 =	vadd.s32 v17, v20;
	v18 =	vor.u32 v1, v18;
	v20, _, _ =	vpop (xrf0)  }
0xcc: {  	v20 =	vadd.s32 v17, v20;
	v17 =	vadd.s32 v17, v19  }
0xcd: {  	v19 =	vld [tilespmem:s15+$0xFFFFFF90];
	vm4 =	vle.s32 v20, v14  }
0xce: {  	vm5 =	vgt.s32 v16, v13;
	v20 =	vld [tilespmem:s15+$0xFFFFFF80];
	vm3 =	vmand vm3, vm4  }
0xcf: {  	v16 =	vld.idx.msk [tilespmem:v21+s12+$0x0], $0xffff;
	vm3 =	vmor vm5, vm3  }
0xd0: {  	v18 =	vld.idx.msk [tilespmem:v18+s12+$0x0], $0xffff;
	v21 =	vsel vm3, $0x3B800000, v2  }
0xd1: {  	[tilespmem:s16+$0xFFFFFFD0] =	vst v21  }
0xd2: {  	v21 =	vld [tilespmem:s17+$0xFFFFFFE0];
	_ =	sdelay $0x2  }
0xd3: {  	v16 =	vmul.f32 v19, v16  }
0xd4: {  	v18 =	vmul.f32 v20, v18  }
0xd5: {  	vm3 =	vlt.s32 v21, $0x0;
	v19 =	vxor.u32 $0x7FFFFFFF, v21  }
0xd6: {  	v19 =	vsel vm3, v19, v21  }
0xd7: {  	vm3 =	veq.s32 v19, v13  }
0xd8: {  	v20 =	vsel vm3, $0x1, v0;
	v21 =	vmpcnt.ones.xlane vm3  }
0xd9: {  	s21 =	sadd.s32 $0xFFFFFFA0, s18;
	(xrf0) =	vadd.scan.msk.s32 $0xffff, v20  }
0xda: {  	v20 =	vmov s21;
	v21 =	vadd.s32 v17, v21  }
0xdb: {  	v20 =	vshrl.u32 v20, $0x7  }
0xdc: {  	v20 =	vshll.u32 v20, v3  }
0xdd: {  	s21 =	sadd.s32 $0xFFFFFFA8, s18;
	v20 =	vbroadcast v20, $0x0  }
0xde: {  	v22 =	vor.u32 s21, v1  }
0xdf: {  	s21 =	sadd.s32 $0xFFFFFF40, s19;
	v20 =	vor.u32 v5, v20;
	v23, _, _ =	vpop (xrf0)  }
0xe0: {  	s21 =	sor.u32 $0x30, s21;
	v17 =	vadd.s32 v17, v23  }
0xe1: {  	v23 =	vld [tilespmem:s21+$0x1000];
	vm4 =	vle.s32 v17, v14  }
0xe2: {  	vm5 =	vgt.s32 v19, v13;
	v17 =	vld [tilespmem:s15+$0xFFFFFFA0];
	vm3 =	vmand vm3, vm4  }
0xe3: {  	v19 =	vld.idx.msk [tilespmem:v22+s12+$0x0], $0xffff;
	vm3 =	vmor vm5, vm3  }
0xe4: {  	v20 =	vld.idx.msk [tilespmem:v20+s12+$0x0], $0xffff;
	v22 =	vsel vm3, $0x3B800000, v2  }
0xe5: {  	[tilespmem:s16+$0xFFFFFFE0] =	vst v22  }
0xe6: {  	v22 =	vld [tilespmem:s17+$0xFFFFFFF0];
	_ =	sdelay $0x1  }
0xe7: {  	v15 =	vadd.f32 v18, v15  }
0xe8: {  	v18 =	vmul.f32 v23, v19  }
0xe9: {  	v15 =	vadd.f32 v16, v15;
	v16 =	vmul.f32 v17, v20  }
0xea: {  	vm3 =	vlt.s32 v22, $0x0;
	v17 =	vxor.u32 $0x7FFFFFFF, v22  }
0xeb: {  	v15 =	vadd.f32 v16, v15;
	v16 =	vsel vm3, v17, v22  }
0xec: {  	vm3 =	veq.s32 v16, v13  }
0xed: {  	v17 =	vsel vm3, $0x1, v0;
	v19 =	vmpcnt.ones.xlane vm3  }
0xee: {  	s21 =	sadd.s32 $0xFFFFFFB0, s18;
	(xrf0) =	vadd.scan.msk.s32 $0xffff, v17  }
0xef: {  	v17 =	vmov s21;
	v19 =	vadd.s32 v21, v19  }
0xf0: {  	v17 =	vshrl.u32 v17, $0x7  }
0xf1: {  	v17 =	vshll.u32 v17, v3  }
0xf2: {  	s21 =	sadd.s32 $0xFFFFFFB8, s18;
	v17 =	vbroadcast v17, $0x0  }
0xf3: {  	v20 =	vor.u32 s21, v1  }
0xf4: {  	s21 =	sadd.s32 $0xFFFFFF60, s19;
	v17 =	vor.u32 v6, v17;
	v22, _, _ =	vpop (xrf0)  }
0xf5: {  	s21 =	sor.u32 $0x50, s21;
	v21 =	vadd.s32 v21, v22  }
0xf6: {  	v22 =	vld [tilespmem:s21+$0x1000];
	vm4 =	vle.s32 v21, v14  }
0xf7: {  	vm5 =	vgt.s32 v16, v13;
	v21 =	vld [tilespmem:s15+$0xFFFFFFC0];
	vm3 =	vmand vm3, vm4  }
0xf8: {  	v16 =	vld.idx.msk [tilespmem:v20+s12+$0x0], $0xffff;
	vm3 =	vmor vm5, vm3  }
0xf9: {  	v17 =	vld.idx.msk [tilespmem:v17+s12+$0x0], $0xffff;
	v20 =	vsel vm3, $0x3B800000, v2  }
0xfa: {  	[tilespmem:s16+$0xFFFFFFF0] =	vst v20  }
0xfb: {  	v20 =	vld [tilespmem:s17+$0x0];
	_ =	sdelay $0x2  }
0xfc: {  	v16 =	vmul.f32 v22, v16  }
0xfd: {  	v15 =	vadd.f32 v18, v15;
	v17 =	vmul.f32 v21, v17  }
0xfe: {  	vm3 =	vlt.s32 v20, $0x0;
	v18 =	vxor.u32 $0x7FFFFFFF, v20  }
0xff: {  	v17 =	vadd.f32 v17, v15;
	v18 =	vsel vm3, v18, v20  }
0x100: {  	vm3 =	veq.s32 v18, v13  }
0x101: {  	v15 =	vsel vm3, $0x1, v0;
	v20 =	vmpcnt.ones.xlane vm3  }
0x102: {  	s21 =	sadd.s32 $0xFFFFFFC0, s18;
	(xrf0) =	vadd.scan.msk.s32 $0xffff, v15  }
0x103: {  	v21 =	vmov s21;
	v15 =	vadd.s32 v19, v20  }
0x104: {  	v20 =	vshrl.u32 v21, $0x7  }
0x105: {  	s21 =	sadd.s32 $0xFFFFFFD0, s18;
	v20 =	vshll.u32 v20, v3  }
0x106: {  	s22 =	sadd.s32 $0xFFFFFFC8, s18;
	v21 =	vmov s21;
	v20 =	vbroadcast v20, $0x0  }
0x107: {  	v22 =	vor.u32 s22, v1;
	v21 =	vshrl.u32 v21, $0x7  }
0x108: {  	s21 =	sadd.s32 $0xFFFFFF80, s19;
	v21 =	vshll.u32 v21, v3;
	v20 =	vor.u32 v7, v20;
	v23, _, _ =	vpop (xrf0)  }
0x109: {  	s21 =	sor.u32 $0x70, s21;
	v21 =	vbroadcast v21, $0x0;
	v19 =	vadd.s32 v19, v23  }
0x10a: {  	v23 =	vld [tilespmem:s21+$0x1000];
	vm4 =	vle.s32 v19, v14  }
0x10b: {  	vm5 =	vgt.s32 v18, v13;
	v18 =	vor.u32 v8, v21;
	s21 =	sadd.s32 $0xFFFFFFD8, s18;
	v19 =	vld [tilespmem:s15+$0xFFFFFFE0];
	vm3 =	vmand vm3, vm4  }
0x10c: {  	v21 =	vld.idx.msk [tilespmem:v22+s12+$0x0], $0xffff;
	vm3 =	vmor vm5, vm3;
	v22 =	vor.u32 s21, v1  }
0x10d: {  	v20 =	vld.idx.msk [tilespmem:v20+s12+$0x0], $0xffff;
	v24 =	vsel vm3, $0x3B800000, v2  }
0x10e: {  	[tilespmem:s16+$0x0] =	vst v24  }
0x10f: {  	v24 =	vld [tilespmem:s17+$0x10]  }
0x110: {  	v18 =	vld.idx.msk [tilespmem:v18+s12+$0x0], $0xffff  }
0x111: {  	v22 =	vld.idx.msk [tilespmem:v22+s12+$0x0], $0xffff  }
0x112: {  	v21 =	vmul.f32 v23, v21;
	v23 =	vld [tilespmem:s15+$0x0]  }
0x113: {  	v16 =	vadd.f32 v16, v17;
	v17 =	vmul.f32 v19, v20;
	v19 =	vld [tilespmem:s15+$0x10]  }
0x114: {  	vm3 =	vlt.s32 v24, $0x0;
	v20 =	vxor.u32 $0x7FFFFFFF, v24  }
0x115: {  	v16 =	vadd.f32 v17, v16;
	v17 =	vsel vm3, v20, v24  }
0x116: {  	vm3 =	veq.s32 v17, v13  }
0x117: {  	v16 =	vadd.f32 v21, v16;
	v20 =	vsel vm3, $0x1, v0;
	v21 =	vmpcnt.ones.xlane vm3  }
0x118: {  	v18 =	vmul.f32 v23, v18;
	v19 =	vmul.f32 v19, v22;
	(xrf0) =	vadd.scan.msk.s32 $0xffff, v20;
	_ =	sdelay $0x1  }
0x119: {  	v16 =	vadd.f32 v18, v16  }
0x11a: {  	s21 =	sadd.s32 $0xFFFFFFE0, s18  }
0x11b: {  	v18 =	vmov s21  }
0x11c: {  	v18 =	vshrl.u32 v18, $0x7  }
0x11d: {  	v18 =	vshll.u32 v18, v3;
	v20, _, _ =	vpop (xrf0)  }
0x11e: {  	v18 =	vbroadcast v18, $0x0;
	v20 =	vadd.s32 v15, v20  }
0x11f: {  	vm4 =	vle.s32 v20, v14  }
0x120: {  	vm5 =	vgt.s32 v17, v13;
	s21 =	sadd.s32 $0xFFFFFFE8, s18;
	v17 =	vor.u32 v9, v18;
	vm3 =	vmand vm3, vm4  }
0x121: {  	v18 =	vor.u32 s21, v1;
	vm3 =	vmor vm5, vm3  }
0x122: {  	v20 =	vsel vm3, $0x3B800000, v2  }
0x123: {  	[tilespmem:s16+$0x10] =	vst v20  }
0x124: {  	v20 =	vld [tilespmem:s17+$0x20]  }
0x125: {  	v17 =	vld.idx.msk [tilespmem:v17+s12+$0x0], $0xffff  }
0x126: {  	s21 =	sadd.s32 $0xFFFFFFC0, s19;
	v18 =	vld.idx.msk [tilespmem:v18+s12+$0x0], $0xffff  }
0x127: {  	s21 =	sor.u32 $0x30, s21;
	v22 =	vld [tilespmem:s15+$0x20]  }
0x128: {  	v23 =	vld [tilespmem:s21+$0x1000]  }
0x129: {  	vm3 =	vlt.s32 v20, $0x0;
	v24 =	vxor.u32 $0x7FFFFFFF, v20  }
0x12a: {  	v20 =	vsel vm3, v24, v20  }
0x12b: {  	vm3 =	veq.s32 v20, v13  }
0x12c: {  	v17 =	vmul.f32 v22, v17;
	v22 =	vsel vm3, $0x1, v0;
	v24 =	vmpcnt.ones.xlane vm3  }
0x12d: {  	v18 =	vmul.f32 v23, v18;
	(xrf0) =	vadd.scan.msk.s32 $0xffff, v22;
	_ =	sdelay $0x2  }
0x12e: {  	s21 =	sadd.s32 $0xFFFFFFF0, s18  }
0x12f: {  	v25 =	vmov s21  }
0x130: {  	v23 =	vshrl.u32 v25, $0x7  }
0x131: {  	v15 =	vadd.s32 v15, v21;
	v21 =	vshll.u32 v23, v3;
	v22, _, _ =	vpop (xrf0)  }
0x132: {  	v21 =	vbroadcast v21, $0x0;
	v22 =	vadd.s32 v15, v22  }
0x133: {  	vm4 =	vle.s32 v22, v14  }
0x134: {  	vm5 =	vgt.s32 v20, v13;
	v20 =	vor.u32 v10, v21;
	vm3 =	vmand vm3, vm4  }
0x135: {  	s21 =	sadd.s32 $0xFFFFFFF8, s18;
	vm3 =	vmor vm5, vm3  }
0x136: {  	v22 =	vor.u32 s21, v1;
	v21 =	vsel vm3, $0x3B800000, v2  }
0x137: {  	[tilespmem:s16+$0x20] =	vst v21  }
0x138: {  	v21 =	vld [tilespmem:s17+$0x30]  }
0x139: {  	v20 =	vld.idx.msk [tilespmem:v20+s12+$0x0], $0xffff  }
0x13a: {  	s21 =	sadd.s32 $0xFFFFFFE0, s19;
	v23 =	vld [tilespmem:s15+$0x40]  }
0x13b: {  	v16 =	vadd.f32 v19, v16;
	s21 =	sor.u32 $0x50, s21;
	v19 =	vld.idx.msk [tilespmem:v22+s12+$0x0], $0xffff  }
0x13c: {  	v22 =	vld [tilespmem:s21+$0x1000]  }
0x13d: {  	v16 =	vadd.f32 v17, v16;
	vm3 =	vlt.s32 v21, $0x0;
	v17 =	vxor.u32 $0x7FFFFFFF, v21  }
0x13e: {  	v21 =	vsel vm3, v17, v21  }
0x13f: {  	v16 =	vadd.f32 v18, v16;
	v17 =	vmul.f32 v23, v20;
	vm3 =	veq.s32 v21, v13  }
0x140: {  	v18 =	vsel vm3, $0x1, v0;
	v20 =	vmpcnt.ones.xlane vm3  }
0x141: {  	v15 =	vadd.s32 v15, v24;
	v16 =	vadd.f32 v17, v16;
	v19 =	vmul.f32 v22, v19;
	(xrf0) =	vadd.scan.msk.s32 $0xffff, v18  }
0x142: {  	v17 =	vadd.s32 v15, v20;
	_ =	sdelay $0x1  }
0x143: {  	v18 =	vmov s18  }
0x144: {  	v18 =	vshrl.u32 v18, $0x7  }
0x145: {  	v18 =	vshll.u32 v18, v3  }
0x146: {  	v18 =	vbroadcast v18, $0x0;
	v20, _, _ =	vpop (xrf0)  }
0x147: {  	v15 =	vadd.s32 v15, v20  }
0x148: {  	vm4 =	vle.s32 v15, v14;
	v15 =	vor.u32 v11, v18  }
0x149: {  	vm5 =	vgt.s32 v21, v13;
	vm3 =	vmand vm3, vm4  }
0x14a: {  	vm3 =	vmor vm5, vm3  }
0x14b: {  	v18 =	vor.u32 v12, v18;
	v20 =	vsel vm3, $0x3B800000, v2  }
0x14c: {  	s17 =	sadd.s32 $0x80, s17;
	[tilespmem:s16+$0x30] =	vst v20  }
0x14d: {  	v20 =	vld [tilespmem:s17+$0xFFFFFFC0]  }
0x14e: {  	v15 =	vld.idx.msk [tilespmem:v15+s12+$0x0], $0xffff  }
0x14f: {  	v21 =	vld [tilespmem:s15+$0x60]  }
0x150: {  	s21 =	sor.u32 $0x70, s19;
	v22 =	vld.idx.msk [tilespmem:v18+s12+$0x0], $0xffff  }
0x151: {  	v23 =	vld [tilespmem:s21+$0x1000]  }
.Ltmp1:
0x152: {  	(pc) =	sbr.rel @p0 .LBB2_3-.Ltmp1, $4  }
0x153: {  	vm3 =	vlt.s32 v20, $0x0;
	v18 =	vxor.u32 $0x7FFFFFFF, v20  }
0x154: {  	v16 =	vadd.f32 v19, v16;
	v18 =	vsel vm3, v18, v20;
	v15 =	vmul.f32 v21, v15  }
0x155: {  	vm3 =	veq.s32 v18, v13  }
0x156: {  	s16 =	sadd.s32 $0x80, s16;
	s15 =	sadd.s32 $0x100, s15;
	v19 =	vsel vm3, $0x1, v0;
	v15 =	vadd.f32 v15, v16;
	v16 =	vmul.f32 v23, v22  }
0x157: {  	(xrf0) =	vadd.scan.msk.s32 $0xffff, v19;
	_ =	sdelay $0x5  }
0x158: {  	v19, _, _ =	vpop (xrf0)  }
0x159: {  	v19 =	vadd.s32 v17, v19  }
0x15a: {  	vm4 =	vle.s32 v19, v14  }
0x15b: {  	vm5 =	vgt.s32 v18, v13;
	vm4 =	vmand vm3, vm4  }
0x15c: {  	vm4 =	vmor vm5, vm4  }
0x15d: {  	v54 =	vsel vm4, $0x3B800000, v2  }
0x15e: {  	[tilespmem:s16+$0xFFFFFFC0] =	vst v54  }
0x15f: {  	v18 =	vld [tilespmem:s17+$0xFFFFFFD0];
	_ =	sdelay $0x4  }
0x160: {  	vm10 =	vlt.s32 v18, $0x0;
	v55 =	vxor.u32 $0x7FFFFFFF, v18  }
0x161: {  	v18 =	vsel vm10, v55, v18  }
0x162: {  	vm4 =	veq.s32 v18, v13  }
0x163: {  	s18 =	sadd.s32 $0x80, s18;
	v56 =	vsel vm4, $0x1, v0  }
0x164: {  	s20 =	sadd.s32 $0xFFFFFF90, s18;
	(xrf0) =	vadd.scan.msk.s32 $0xffff, v56  }
0x165: {  	v20 =	vmov s20  }
0x166: {  	v57 =	vshrl.u32 v20, $0x7  }
0x167: {  	v19 =	vshll.u32 v57, v3  }
0x168: {  	v58 =	vmpcnt.ones.xlane vm3;
	v19 =	vbroadcast v19, $0x0;
	_ =	sdelay $0x1  }
0x169: {  	v22 =	vadd.s32 v17, v58;
	v21 =	vor.u32 v4, v19;
	v60, _, _ =	vpop (xrf0)  }
0x16a: {  	v59 =	vor.u32 v1, v19;
	v61 =	vadd.s32 v22, v60  }
0x16b: {  	vm3 =	vle.s32 v61, v14  }
0x16c: {  	v17 =	vld [tilespmem:s15+$0xFFFFFF90];
	vm11 =	vgt.s32 v18, v13;
	vm3 =	vmand vm4, vm3  }
0x16d: {  	v62 =	vld [tilespmem:s15+$0xFFFFFF80];
	vm3 =	vmor vm11, vm3  }
0x16e: {  	v63 =	vld.idx.msk [tilespmem:v21+s12+$0x0], $0xffff;
	v36 =	vsel vm3, $0x3B800000, v2  }
0x16f: {  	v20 =	vld.idx.msk [tilespmem:v59+s12+$0x0], $0xffff;
	[tilespmem:s16+$0xFFFFFFD0] =	vst v36  }
0x170: {  	v21 =	vld [tilespmem:s17+$0xFFFFFFE0];
	_ =	sdelay $0x4  }
0x171: {  	vm3 =	vlt.s32 v21, $0x0;
	v23 =	vxor.u32 $0x7FFFFFFF, v21  }
0x172: {  	v23 =	vsel vm3, v23, v21  }
0x173: {  	vm3 =	veq.s32 v23, v13  }
0x174: {  	v37 =	vsel vm3, $0x1, v0  }
0x175: {  	s23 =	sadd.s32 $0xFFFFFFA0, s18;
	(xrf0) =	vadd.scan.msk.s32 $0xffff, v37  }
0x176: {  	v38 =	vmov s23  }
0x177: {  	v21 =	vshrl.u32 v38, $0x7  }
0x178: {  	s24 =	sadd.s32 $0xFFFFFFA8, s18;
	v21 =	vshll.u32 v21, v3  }
0x179: {  	v25 =	vor.u32 s24, v1;
	v24 =	vmpcnt.ones.xlane vm4;
	v21 =	vbroadcast v21, $0x0;
	_ =	sdelay $0x1  }
0x17a: {  	v26 =	vadd.s32 v22, v24;
	v39 =	vor.u32 v5, v21;
	v40, _, _ =	vpop (xrf0)  }
0x17b: {  	s19 =	sadd.s32 $0x100, s19;
	v22 =	vadd.s32 v26, v40  }
0x17c: {  	s25 =	sadd.s32 $0xFFFFFF40, s19;
	vm12 =	vle.s32 v22, v14  }
0x17d: {  	s20 =	sor.u32 $0x30, s25;
	vm13 =	vgt.s32 v23, v13;
	v23 =	vld.idx.msk [tilespmem:v25+s12+$0x0], $0xffff;
	vm4 =	vmand vm3, vm12  }
0x17e: {  	v21 =	vld [tilespmem:s20+$0x1000];
	vm4 =	vmor vm13, vm4  }
0x17f: {  	v24 =	vld.idx.msk [tilespmem:v39+s12+$0x0], $0xffff;
	v41 =	vsel vm4, $0x3B800000, v2  }
0x180: {  	v22 =	vld [tilespmem:s15+$0xFFFFFFA0];
	[tilespmem:s16+$0xFFFFFFE0] =	vst v41  }
0x181: {  	v25 =	vld [tilespmem:s17+$0xFFFFFFF0];
	_ =	sdelay $0x4  }
0x182: {  	vm14 =	vlt.s32 v25, $0x0;
	v27 =	vxor.u32 $0x7FFFFFFF, v25  }
0x183: {  	v25 =	vsel vm14, v27, v25  }
0x184: {  	vm4 =	veq.s32 v25, v13  }
0x185: {  	v42 =	vsel vm4, $0x1, v0  }
0x186: {  	(xrf0) =	vadd.scan.msk.s32 $0xffff, v42  }
0x187: {  	s26 =	sadd.s32 $0xFFFFFFB0, s18  }
0x188: {  	v43 =	vmov s26  }
0x189: {  	v27 =	vshrl.u32 v43, $0x7  }
0x18a: {  	v28 =	vmpcnt.ones.xlane vm3;
	v27 =	vshll.u32 v27, v3  }
0x18b: {  	s28 =	sadd.s32 $0xFFFFFFB8, s18;
	v27 =	vbroadcast v27, $0x0  }
0x18c: {  	v29 =	vor.u32 s28, v1;
	v26 =	vadd.s32 v26, v28;
	v44, _, _ =	vpop (xrf0)  }
0x18d: {  	s29 =	sadd.s32 $0xFFFFFF60, s19;
	v27 =	vor.u32 v6, v27;
	v28 =	vadd.s32 v26, v44  }
0x18e: {  	s20 =	sor.u32 $0x50, s29;
	vm3 =	vle.s32 v28, v14  }
0x18f: {  	v30 =	vld [tilespmem:s20+$0x1000];
	vm15 =	vgt.s32 v25, v13;
	vm3 =	vmand vm4, vm3  }
0x190: {  	v45 =	vld [tilespmem:s15+$0xFFFFFFC0];
	vm3 =	vmor vm15, vm3  }
0x191: {  	v25 =	vld.idx.msk [tilespmem:v29+s12+$0x0], $0xffff;
	v46 =	vsel vm3, $0x3B800000, v2  }
0x192: {  	v27 =	vld.idx.msk [tilespmem:v27+s12+$0x0], $0xffff;
	[tilespmem:s16+$0xFFFFFFF0] =	vst v46  }
0x193: {  	v29 =	vld [tilespmem:s17+$0x0];
	_ =	sdelay $0x4  }
0x194: {  	vm3 =	vlt.s32 v29, $0x0;
	v31 =	vxor.u32 $0x7FFFFFFF, v29  }
0x195: {  	v29 =	vsel vm3, v31, v29  }
0x196: {  	vm3 =	veq.s32 v29, v13  }
0x197: {  	v47 =	vsel vm3, $0x1, v0  }
0x198: {  	(xrf0) =	vadd.scan.msk.s32 $0xffff, v47  }
0x199: {  	s30 =	sadd.s32 $0xFFFFFFC0, s18  }
0x19a: {  	v48 =	vmov s30  }
0x19b: {  	v31 =	vshrl.u32 v48, $0x7  }
0x19c: {  	v32 =	vmpcnt.ones.xlane vm4;
	v31 =	vshll.u32 v31, v3  }
0x19d: {  	s31 =	sadd.s32 $0xFFFFFFC8, s18;
	v31 =	vbroadcast v31, $0x0  }
0x19e: {  	v33 =	vor.u32 s31, v1;
	v26 =	vadd.s32 v26, v32;
	v49, _, _ =	vpop (xrf0)  }
0x19f: {  	s21 =	sadd.s32 $0xFFFFFF80, s19;
	v31 =	vor.u32 v7, v31;
	v32 =	vadd.s32 v26, v49  }
0x1a0: {  	s20 =	sor.u32 $0x70, s21;
	vm8 =	vle.s32 v32, v14  }
0x1a1: {  	v34 =	vld [tilespmem:s20+$0x1000];
	vm9 =	vgt.s32 v29, v13;
	vm4 =	vmand vm3, vm8  }
0x1a2: {  	v50 =	vld [tilespmem:s15+$0xFFFFFFE0];
	vm4 =	vmor vm9, vm4  }
0x1a3: {  	v29 =	vld.idx.msk [tilespmem:v33+s12+$0x0], $0xffff;
	v51 =	vsel vm4, $0x3B800000, v2  }
0x1a4: {  	v31 =	vld.idx.msk [tilespmem:v31+s12+$0x0], $0xffff;
	[tilespmem:s16+$0x0] =	vst v51  }
0x1a5: {  	v33 =	vld [tilespmem:s17+$0x10];
	_ =	sdelay $0x4  }
0x1a6: {  	vm10 =	vlt.s32 v33, $0x0;
	v35 =	vxor.u32 $0x7FFFFFFF, v33  }
0x1a7: {  	v33 =	vsel vm10, v35, v33  }
0x1a8: {  	vm4 =	veq.s32 v33, v13  }
0x1a9: {  	s22 =	sadd.s32 $0xFFFFFFD0, s18;
	v36 =	vsel vm4, $0x1, v0  }
0x1aa: {  	v52 =	vmov s22;
	(xrf0) =	vadd.scan.msk.s32 $0xffff, v36  }
0x1ab: {  	v35 =	vshrl.u32 v52, $0x7  }
0x1ac: {  	v35 =	vshll.u32 v35, v3  }
0x1ad: {  	v35 =	vbroadcast v35, $0x0  }
0x1ae: {  	v53 =	vmpcnt.ones.xlane vm3  }
0x1af: {  	s23 =	sadd.s32 $0xFFFFFFD8, s18;
	v35 =	vor.u32 v8, v35  }
0x1b0: {  	v37 =	vor.u32 s23, v1;
	v26 =	vadd.s32 v26, v53;
	v54, _, _ =	vpop (xrf0)  }
0x1b1: {  	v36 =	vadd.s32 v26, v54  }
0x1b2: {  	vm3 =	vle.s32 v36, v14  }
0x1b3: {  	v55 =	vld [tilespmem:s15+$0x0];
	vm11 =	vgt.s32 v33, v13;
	vm3 =	vmand vm4, vm3  }
0x1b4: {  	v35 =	vld.idx.msk [tilespmem:v35+s12+$0x0], $0xffff;
	vm3 =	vmor vm11, vm3  }
0x1b5: {  	v36 =	vld.idx.msk [tilespmem:v37+s12+$0x0], $0xffff;
	v38 =	vsel vm3, $0x3B800000, v2  }
0x1b6: {  	v37 =	vld [tilespmem:s15+$0x10];
	[tilespmem:s16+$0x10] =	vst v38  }
0x1b7: {  	v38 =	vld [tilespmem:s17+$0x20];
	_ =	sdelay $0x4  }
0x1b8: {  	vm3 =	vlt.s32 v38, $0x0;
	v39 =	vxor.u32 $0x7FFFFFFF, v38  }
0x1b9: {  	v38 =	vsel vm3, v39, v38  }
0x1ba: {  	vm3 =	veq.s32 v38, v13  }
0x1bb: {  	v40 =	vsel vm3, $0x1, v0  }
0x1bc: {  	s24 =	sadd.s32 $0xFFFFFFE0, s18;
	(xrf0) =	vadd.scan.msk.s32 $0xffff, v40  }
0x1bd: {  	v56 =	vmov s24  }
0x1be: {  	v39 =	vshrl.u32 v56, $0x7  }
0x1bf: {  	v39 =	vshll.u32 v39, v3  }
0x1c0: {  	v57 =	vmpcnt.ones.xlane vm4;
	v39 =	vbroadcast v39, $0x0;
	_ =	sdelay $0x1  }
0x1c1: {  	s25 =	sadd.s32 $0xFFFFFFE8, s18;
	v26 =	vadd.s32 v26, v57;
	v39 =	vor.u32 v9, v39;
	v58, _, _ =	vpop (xrf0)  }
0x1c2: {  	v41 =	vor.u32 s25, v1;
	v40 =	vadd.s32 v26, v58  }
0x1c3: {  	s26 =	sadd.s32 $0xFFFFFFC0, s19;
	vm12 =	vle.s32 v40, v14  }
0x1c4: {  	s20 =	sor.u32 $0x30, s26;
	v59 =	vld [tilespmem:s15+$0x20];
	vm13 =	vgt.s32 v38, v13;
	vm4 =	vmand vm3, vm12  }
0x1c5: {  	v61 =	vld [tilespmem:s20+$0x1000];
	vm4 =	vmor vm13, vm4  }
0x1c6: {  	v60 =	vmul.f32 v62, v20;
	v39 =	vld.idx.msk [tilespmem:v39+s12+$0x0], $0xffff;
	v62 =	vsel vm4, $0x3B800000, v2  }
0x1c7: {  	v40 =	vld.idx.msk [tilespmem:v41+s12+$0x0], $0xffff;
	[tilespmem:s16+$0x20] =	vst v62  }
0x1c8: {  	v15 =	vadd.f32 v16, v15;
	v17 =	vmul.f32 v17, v63;
	v63 =	vld [tilespmem:s17+$0x30];
	_ =	sdelay $0x1  }
0x1c9: {  	v15 =	vadd.f32 v60, v15;
	_ =	sdelay $0x1  }
0x1ca: {  	v15 =	vadd.f32 v17, v15;
	v41 =	vmul.f32 v22, v24  }
0x1cb: {  	vm14 =	vlt.s32 v63, $0x0;
	v43 =	vxor.u32 $0x7FFFFFFF, v63  }
0x1cc: {  	v42 =	vmul.f32 v21, v23;
	v15 =	vadd.f32 v41, v15;
	v16 =	vsel vm14, v43, v63  }
0x1cd: {  	s28 =	sadd.s32 $0xFFFFFFF0, s18;
	v44 =	vmul.f32 v45, v27;
	vm4 =	veq.s32 v16, v13  }
0x1ce: {  	v45 =	vmov s28;
	v15 =	vadd.f32 v42, v15;
	v46 =	vsel vm4, $0x1, v0  }
0x1cf: {  	v18 =	vshrl.u32 v45, $0x7;
	(xrf0) =	vadd.scan.msk.s32 $0xffff, v46  }
0x1d0: {  	v48 =	vshll.u32 v18, v3;
	v47 =	vmul.f32 v30, v25;
	v15 =	vadd.f32 v44, v15  }
0x1d1: {  	v17 =	vbroadcast v48, $0x0  }
0x1d2: {  	v49 =	vmul.f32 v50, v31;
	v50 =	vmov s18;
	v15 =	vadd.f32 v47, v15  }
0x1d3: {  	v17 =	vor.u32 v10, v17;
	v20 =	vshrl.u32 v50, $0x7;
	v52 =	vmpcnt.ones.xlane vm3  }
0x1d4: {  	s29 =	sadd.s32 $0xFFFFFFF8, s18;
	v51 =	vmul.f32 v34, v29;
	v20 =	vshll.u32 v20, v3;
	v15 =	vadd.f32 v49, v15  }
0x1d5: {  	v53 =	vor.u32 s29, v1;
	v20 =	vbroadcast v20, $0x0;
	v22 =	vadd.s32 v26, v52;
	v54, _, _ =	vpop (xrf0)  }
0x1d6: {  	v55 =	vmul.f32 v55, v35;
	v15 =	vadd.f32 v51, v15;
	v22 =	vadd.s32 v22, v54  }
0x1d7: {  	v56 =	vor.u32 v11, v20;
	vm15 =	vgt.s32 v16, v13;
	vm3 =	vle.s32 v22, v14  }
0x1d8: {  	v17 =	vld.idx.msk [tilespmem:v17+s12+$0x0], $0xffff;
	v15 =	vadd.f32 v55, v15;
	v14 =	vmul.f32 v37, v36;
	vm3 =	vmand vm4, vm3  }
0x1d9: {  	s30 =	sadd.s32 $0xFFFFFFE0, s19;
	v58 =	vor.u32 v12, v20;
	v13 =	vld [tilespmem:s15+$0x40];
	vm3 =	vmor vm15, vm3  }
0x1da: {  	v59 =	vmul.f32 v59, v39;
	v57 =	vld.idx.msk [tilespmem:v53+s12+$0x0], $0xffff;
	s17 =	sor.u32 $0x50, s30;
	v14 =	vadd.f32 v14, v15;
	v60 =	vsel vm3, $0x3B800000, v2  }
0x1db: {  	v15 =	vld [tilespmem:s17+$0x1000];
	[tilespmem:s16+$0x30] =	vst v60  }
0x1dc: {  	v19 =	vmul.f32 v61, v40;
	v14 =	vadd.f32 v59, v14;
	v61 =	vld.idx.msk [tilespmem:v56+s12+$0x0], $0xffff  }
0x1dd: {  	v21 =	vld [tilespmem:s15+$0x60]  }
0x1de: {  	s31 =	sor.u32 $0x70, s19;
	v13 =	vmul.f32 v13, v17;
	v62 =	vld.idx.msk [tilespmem:v58+s12+$0x0], $0xffff;
	v14 =	vadd.f32 v19, v14  }
0x1df: {  	v63 =	vld [tilespmem:s31+$0x1000]  }
0x1e0: {  	v13 =	vadd.f32 v13, v14;
	v14 =	vmul.f32 v15, v57;
	_ =	sdelay $0x1  }
0x1e1: {  	v13 =	vadd.f32 v14, v13;
	v14 =	vmul.f32 v21, v61;
	_ =	sdelay $0x1  }
0x1e2: {  	v13 =	vadd.f32 v14, v13;
	v14 =	vmul.f32 v63, v62;
	_ =	sdelay $0x1  }
0x1e3: {  	v13 =	vadd.f32 v14, v13;
	_ =	sdelay $0x1  }
0x1e4: {  	v14 =	vnsel vm0, $0x0, v13  }
0x1e5: {  	v13 =	vsel vm0, $0x0, v13;
	(xrf2) =	vadd.scan.msk.f32 $0xffff, v14  }
0x1e6: {  	(xrf2) =	vadd.scan.msk.f32 $0xffff, v13;
	_ =	sdelay $0x8  }
0x1e7: {  	v13, _, _ =	vpop (xrf2)  }
0x1e8: {  	v14, _, _ =	vpop (xrf2)  }
0x1e9: {  	v14 =	vbroadcast v14, $0xF  }
0x1ea: {  	v13 =	vbroadcast v13, $0xF  }
0x1eb: {  	v14 =	vnsel vm1, $0x0, v14  }
0x1ec: {  	v13 =	vsel vm2, v14, v13  }
0x1ed: {  	[tilespmem:$0x4080] =	vst v13  }
0x1ee: {  	[hbm4b:s5+s2] =	stream.linear.scatter [tilespmem:s12], [sflag:$0x1], $0x1000, $0x38;
	[tilespmem:$0x4100] =	vst v63  }
0x1ef: {  	s14 =	sadd.s32 $0x1, s14;
	_ =	swait.ge [sflag:s9], $0x1000  }
0x1f0: {  	p0 =	sne.s32 s14, s8;
	[sflag:s9] =	ssyncset.done $0x0  }
.Ltmp2:
0x1f1: {  	[sflag:s9] =	ssyncadd.s32 $0xFFFFF000;
	(pc) =	sbr.rel @p0 .LBB2_2-.Ltmp2, $4  }
0x1f2: {  	[hbm4b:s6+s2] =	stream.linear.scatter [tilespmem:s13], [sflag:$0x1], $0x10, $0x38;
	[tilespmem:$0x4100] =	vst v63  }
0x1f3: {  	_ =	swait.ge [sflag:s9], $0x10  }
0x1f4: {  	[sflag:s9] =	ssyncset.done $0x0  }
0x1f5: {  	[sflag:s9] =	ssyncadd.s32 $0xFFFFFFF0  }
.LBB2_5:
0x1f6: {  	_ =	sfence.sel $0x180000  }
0x1f7: {  	[bflag:$0x0] =	sbarrier.arrive $0xFFFF  }
0x1f8: {  	p0 =	sne.s32 s1, $0x0;
	_ =	strace $0x90000047  }
0x1f9: {  	s0 =	sadd.s32 @!p0 $0x100000, s0;
	[bflag:$0x2] =	sbarrier.arrive $0xFFFF  }
0x1fa: {  	[sflag:s0] =	ssyncadd.tile.s32 @!p0 $0x1;
	_ =	shalt  }
.Lfunc_end2:
_tile_overlayer_lowered:
.L_overlay_start_2:
0x1fb: {  	(tag) =	ssettag $0x2  }
0x1fc: {  	s0 =	rddreg [dreg:$0x0];
	s2 =	stileid.u32  }
0x1fd: {  	s1 =	rddreg [dreg:$0x1];
	p0 =	sne.s32 s2, $0x0  }
0x1fe: {  	s3 =	rddreg [dreg:$0x2];
	[bflag:$0x3] =	sbarrier.arrive $0xFFFF;
	s2 =	simm.s32 @!p0 $0x1C01  }
0x1ff: {  	[timem:s3], [sflag:s2] =	dma.local @!p0 [hbm:s0], s1  }
0x200: {  	s0 =	simm.s32 @!p0 $0x1  }
0x201: {  	_ =	swait.ge @!p0 [sflag:s0], s1  }
0x202: {  	s1 =	ssub.s32 @!p0 $0x0, s1;
	[sflag:s0] =	ssyncset.done @!p0 $0x0  }
0x203: {  	[sflag:s0] =	ssyncadd.s32 @!p0 s1  }
0x204: {  	[bflag:$0x3] =	sbarrier.arrive $0xFFFF  }
0x205: {  	_ =	shalt  }

</sc_bundles>
